<compile_context>
chip_gen: v7x
topology: tpu7x:2x2x1
jax: 0.10.2.dev20260603
libtpu: 0.0.44.dev20260713+nightly
codegen_flags: <defaults>
</compile_context>

<pallas_src>
import jax
import jax.numpy as jnp
from jax import lax
from jax.experimental import pallas as pl
from jax.experimental.pallas import tpu as pltpu
from jax.experimental.pallas import tpu_sc as plsc

E = 320000
F = 4
H = 128
VOCAB = 10000
L = 16
NC = 2
NS = 16
NW = NC * NS
TB = 128
NT = E // TB
KC = 2
NJ = -(-NT // NW)
NITER = -(-NJ // KC)


def _body(edge_hbm, table_hbm, w_hbm, b_hbm, out_hbm,
          ec, idx0, idx1, s_v, r0, w_v, b_v, shared, esem, gsem, wsem):
    wid = lax.axis_index("s") * NC + lax.axis_index("c")
    sid = lax.axis_index("s")

    @pl.when(sid == 0)
    def _():
        pltpu.sync_copy(table_hbm, shared)

    plsc.subcore_barrier()

    pltpu.sync_copy(w_hbm, w_v)
    pltpu.sync_copy(b_hbm, b_v)
    w_regs = [w_v[pl.ds(h * L, L)] for h in range(H // L)]
    bb_regs = [b_v[pl.ds(h * L, L)] * 2.0 for h in range(H // L)]

    def fire_edge(tile, b):
        pltpu.async_copy(edge_hbm.at[tile],
                         ec.at[pl.ds(b * F, F), :], esem.at[b])

    def drain(src, dst, sem):
        pltpu.make_async_copy(src, dst, sem).wait()

    for b in range(KC):
        fire_edge(wid + NW * b, b)

    def ring_body(k, carry):
        j0 = k * KC
        for b in range(KC):
            tile = wid + NW * (j0 + b)

            @pl.when(tile < NT)
            def _(tile=tile, b=b):
                drain(edge_hbm.at[0], ec.at[pl.ds(b * F, F), :], esem.at[b])
                for t in range(TB // L):
                    sl = pl.ds(t * L, L)
                    dl = pl.ds(b * TB + t * L, L)
                    idx0[dl] = ec[b * F + 0, sl]
                    idx1[dl] = ec[b * F + 1, sl]
                    s_v[dl] = (ec[b * F + 2, sl]
                               + ec[b * F + 3, sl]).astype(jnp.float32)
                @pl.when(k > 0)
                def _(b=b):
                    drain(out_hbm.at[pl.ds(0, TB), :],
                          r0.at[pl.ds(b * TB, TB), :], wsem.at[b])
                r0b = r0.at[pl.ds(b * TB, TB), :]
                svb = s_v.at[pl.ds(b * TB, TB)]

                @plsc.parallel_loop(0, TB, 1, unroll=4)
                def fill_body(e, r0b=r0b, svb=svb):
                    sv = plsc.load_gather(
                        svb, [jnp.full((L,), e, jnp.int32)])
                    for h in range(H // L):
                        sl = pl.ds(h * L, L)
                        r0b[e, sl] = sv * w_regs[h] + bb_regs[h]

                for hh in range(2):
                    hb = pl.ds(b * TB + hh * (TB // 2), TB // 2)
                    rh = r0.at[pl.ds(b * TB + hh * (TB // 2), TB // 2), :]
                    pltpu.async_copy(shared.at[idx0.at[hb]], rh,
                                     gsem.at[b], add=True)
                    pltpu.async_copy(shared.at[idx1.at[hb]], rh,
                                     gsem.at[b], add=True)

        for b in range(KC):
            tile_n = wid + NW * (j0 + KC + b)

            @pl.when(tile_n < NT)
            def _(tile_n=tile_n, b=b):
                fire_edge(tile_n, b)

        for b in range(KC):
            tile = wid + NW * (j0 + b)

            @pl.when(tile < NT)
            def _(tile=tile, b=b):
                r0b = r0.at[pl.ds(b * TB, TB), :]
                for hh in range(2):
                    hb = pl.ds(b * TB + hh * (TB // 2), TB // 2)
                    rh = r0.at[pl.ds(b * TB + hh * (TB // 2), TB // 2), :]
                    drain(shared.at[idx0.at[hb]], rh, gsem.at[b])
                    drain(shared.at[idx1.at[hb]], rh, gsem.at[b])
                pltpu.async_copy(r0b, out_hbm.at[pl.ds(tile * TB, TB), :],
                                 wsem.at[b])
        return carry

    lax.fori_loop(0, NITER, ring_body, 0)

    for b in range(KC):
        drain(out_hbm.at[pl.ds(0, TB), :],
              r0.at[pl.ds(b * TB, TB), :], wsem.at[b])


@jax.jit
def _run(edge_t, emb_table, w_flat, lin_b):
    mesh = plsc.VectorSubcoreMesh(core_axis_name="c", subcore_axis_name="s")
    k = pl.kernel(
        _body,
        out_type=jax.ShapeDtypeStruct((E, H), jnp.float32),
        mesh=mesh,
        compiler_params=pltpu.CompilerParams(needs_layout_passes=False),
        scratch_types=[
            pltpu.VMEM((KC * F, TB), jnp.int32),
            pltpu.VMEM((KC * TB,), jnp.int32),
            pltpu.VMEM((KC * TB,), jnp.int32),
            pltpu.VMEM((KC * TB,), jnp.float32),
            pltpu.VMEM((KC * TB, H), jnp.float32),
            pltpu.VMEM((H,), jnp.float32),
            pltpu.VMEM((H,), jnp.float32),
            pltpu.VMEM_SHARED((VOCAB, H), jnp.float32),
            pltpu.SemaphoreType.DMA((KC,)),
            pltpu.SemaphoreType.DMA((KC,)),
            pltpu.SemaphoreType.DMA((KC,)),
        ],
    )
    return k(edge_t, emb_table, w_flat, lin_b)


def kernel(edge_feat, emb_table, lin_W, lin_b):
    edge_t = (edge_feat.astype(jnp.int32)
              .reshape(NT, TB, F).transpose(0, 2, 1))
    w_flat = lin_W.reshape(H)
    out = _run(edge_t, emb_table, w_flat, lin_b)
    return out.reshape(1, E, H)

# --- scband reference (transcript-rebuilt; emitter-appended) ---
"""Pipeline reference for scband-edge-init-embedding-9414568312878 (READ-ONLY COPY).

The authoritative reference and input builder live on the scoring server;
editing this copy changes nothing except your own understanding.
"""

import jax, jax.numpy as jnp
import numpy as np

E = 320000
F = 4
HIDDEN = 128
VOCAB = 10000
BATCH = 1

def setup_inputs(seed: int = 0) -> dict:
    key = jax.random.key(seed)
    k1, k2, k3 = jax.random.split(key, 3)
    edge_feat = jax.random.randint(k1, (E, F), 0, VOCAB)
    emb_table = jax.random.normal(k2, (VOCAB, HIDDEN), dtype=jnp.float32) * 0.02
    lin_W = jax.random.normal(k3, (HIDDEN, 1), dtype=jnp.float32) * 0.02
    lin_b = jnp.zeros((HIDDEN,), dtype=jnp.float32)
    return {"edge_feat": edge_feat, "emb_table": emb_table, "lin_W": lin_W, "lin_b": lin_b}

def reference(edge_feat, emb_table, lin_W, lin_b):
    # edge_feat[:, 2:] -> continuous features fed through Linear(1, hidden)
    linear_feat = edge_feat[:, 2:].astype(jnp.float32)[..., None]  # [E, F-2, 1]
    # edge_feat[:, :2] -> categorical indices into the edge embedding table
    embed_feat = edge_feat[:, :2]  # [E, 2] int
    lin_out = linear_feat @ lin_W.T + lin_b  # [E, F-2, H]
    emb_out = jnp.take(emb_table, embed_feat, axis=0)  # [E, 2, H] gather
    x = jnp.concatenate([lin_out, emb_out], axis=1)  # [E, F, H]
    x = jnp.sum(x, axis=1)  # [E, H]
    x = x.reshape(BATCH, x.shape[0], HIDDEN)  # [1, E, H] (batch_size must be 1 for the view to be valid)
    return x

if __name__ == "__main__":
    import jax
    _d = setup_inputs()
    print(jax.jit(kernel)(*tuple(_d.values())))

</pallas_src>

<mosaic_0001>
#map = affine_map<(d0, d1) -> (0, 0, 0)>
#map1 = affine_map<(d0, d1) -> (0, 0)>
#map2 = affine_map<(d0, d1) -> (0)>
module attributes {stable_mosaic.version = 14 : i64} {
  func.func @_body(%arg0: i32, %arg1: i32, %arg2: memref<2500x4x128xi32, #tpu.memory_space<hbm>>, %arg3: memref<10000x128xf32, #tpu.memory_space<hbm>>, %arg4: memref<128xf32, #tpu.memory_space<hbm>>, %arg5: memref<128xf32, #tpu.memory_space<hbm>>, %arg6: memref<320000x128xf32, #tpu.memory_space<hbm>>, %arg7: memref<8x128xi32, #tpu.memory_space<vmem>>, %arg8: memref<256xi32, #tpu.memory_space<vmem>>, %arg9: memref<256xi32, #tpu.memory_space<vmem>>, %arg10: memref<256xf32, #tpu.memory_space<vmem>>, %arg11: memref<256x128xf32, #tpu.memory_space<vmem>>, %arg12: memref<128xf32, #tpu.memory_space<vmem>>, %arg13: memref<128xf32, #tpu.memory_space<vmem>>, %arg14: memref<10000x128xf32, #tpu.memory_space<vmem_shared>>, %arg15: memref<2x!tpu.dma_semaphore, #tpu.memory_space<semaphore_mem>>, %arg16: memref<2x!tpu.dma_semaphore, #tpu.memory_space<semaphore_mem>>, %arg17: memref<2x!tpu.dma_semaphore, #tpu.memory_space<semaphore_mem>>) attributes {dimension_semantics = [#tpu.dimension_semantics<core_parallel>, #tpu.dimension_semantics<subcore_parallel>], iteration_bounds = array<i64: 2, 16>, scalar_prefetch = 0 : i64, scratch_operands = 11 : i64, tpu.core_type = #tpu.core_type<sc_vector_subcore>, window_params = [{transform_indices = #map}, {transform_indices = #map1}, {transform_indices = #map2}, {transform_indices = #map2}, {transform_indices = #map1}]} {
    %mul3A = arith.constant 2 : i32
    %mul3A_0 = arith.muli %arg1, %mul3A : i32
    %add3A = arith.addi %mul3A_0, %arg0 : i32
    %eq3A = arith.constant 0 : i32
    %eq3A_1 = arith.cmpi eq, %arg1, %eq3A : i32
    %convert_element_type3A = arith.extui %eq3A_1 : i1 to i32
    %cond3A = arith.constant 0 : i32
    %cond3A_2 = arith.cmpi ne, %convert_element_type3A, %cond3A : i32
    scf.if %cond3A_2 {
      "tpu.region"() ({
        %run_scoped3A = tpu.sem_alloc : memref<!tpu.dma_semaphore, #tpu.memory_space<semaphore_mem>>
        tpu.enqueue_dma source(%arg3 : memref<10000x128xf32, #tpu.memory_space<hbm>>) target(%arg14 : memref<10000x128xf32, #tpu.memory_space<vmem_shared>>) target_semaphore(%run_scoped3A : memref<!tpu.dma_semaphore, #tpu.memory_space<semaphore_mem>>)
        tpu.wait_dma2 semaphore(%run_scoped3A : memref<!tpu.dma_semaphore, #tpu.memory_space<semaphore_mem>>) src(%arg3 : memref<10000x128xf32, #tpu.memory_space<hbm>>) dst(%arg14 : memref<10000x128xf32, #tpu.memory_space<vmem_shared>>)
        tpu.yield
      }) : () -> ()
    } else {
    }
    %barrier3A = arith.constant 0 : index
    tpu.barrier barrier_id(%barrier3A)
    "tpu.region"() ({
      %run_scoped3A = tpu.sem_alloc : memref<!tpu.dma_semaphore, #tpu.memory_space<semaphore_mem>>
      tpu.enqueue_dma source(%arg4 : memref<128xf32, #tpu.memory_space<hbm>>) target(%arg12 : memref<128xf32, #tpu.memory_space<vmem>>) target_semaphore(%run_scoped3A : memref<!tpu.dma_semaphore, #tpu.memory_space<semaphore_mem>>)
      tpu.wait_dma2 semaphore(%run_scoped3A : memref<!tpu.dma_semaphore, #tpu.memory_space<semaphore_mem>>) src(%arg4 : memref<128xf32, #tpu.memory_space<hbm>>) dst(%arg12 : memref<128xf32, #tpu.memory_space<vmem>>)
      tpu.yield
    }) : () -> ()
    "tpu.region"() ({
      %run_scoped3A = tpu.sem_alloc : memref<!tpu.dma_semaphore, #tpu.memory_space<semaphore_mem>>
      tpu.enqueue_dma source(%arg5 : memref<128xf32, #tpu.memory_space<hbm>>) target(%arg13 : memref<128xf32, #tpu.memory_space<vmem>>) target_semaphore(%run_scoped3A : memref<!tpu.dma_semaphore, #tpu.memory_space<semaphore_mem>>)
      tpu.wait_dma2 semaphore(%run_scoped3A : memref<!tpu.dma_semaphore, #tpu.memory_space<semaphore_mem>>) src(%arg5 : memref<128xf32, #tpu.memory_space<hbm>>) dst(%arg13 : memref<128xf32, #tpu.memory_space<vmem>>)
      tpu.yield
    }) : () -> ()
    %get3A = arith.constant 0 : index
    %get3A_3 = tpu.vector_load %arg12[%get3A] {strides = array<i32>} : memref<128xf32, #tpu.memory_space<vmem>>, vector<16xf32>,
    %get3A_4 = arith.constant 16 : index
    %get3A_5 = tpu.vector_load %arg12[%get3A_4] {strides = array<i32>} : memref<128xf32, #tpu.memory_space<vmem>>, vector<16xf32>,
    %get3A_6 = arith.constant 32 : index
    %get3A_7 = tpu.vector_load %arg12[%get3A_6] {strides = array<i32>} : memref<128xf32, #tpu.memory_space<vmem>>, vector<16xf32>,
    %get3A_8 = arith.constant 48 : index
    %get3A_9 = tpu.vector_load %arg12[%get3A_8] {strides = array<i32>} : memref<128xf32, #tpu.memory_space<vmem>>, vector<16xf32>,
    %get3A_10 = arith.constant 64 : index
    %get3A_11 = tpu.vector_load %arg12[%get3A_10] {strides = array<i32>} : memref<128xf32, #tpu.memory_space<vmem>>, vector<16xf32>,
    %get3A_12 = arith.constant 80 : index
    %get3A_13 = tpu.vector_load %arg12[%get3A_12] {strides = array<i32>} : memref<128xf32, #tpu.memory_space<vmem>>, vector<16xf32>,
    %get3A_14 = arith.constant 96 : index
    %get3A_15 = tpu.vector_load %arg12[%get3A_14] {strides = array<i32>} : memref<128xf32, #tpu.memory_space<vmem>>, vector<16xf32>,
    %get3A_16 = arith.constant 112 : index
    %get3A_17 = tpu.vector_load %arg12[%get3A_16] {strides = array<i32>} : memref<128xf32, #tpu.memory_space<vmem>>, vector<16xf32>,
    %get3A_18 = arith.constant 0 : index
    %get3A_19 = tpu.vector_load %arg13[%get3A_18] {strides = array<i32>} : memref<128xf32, #tpu.memory_space<vmem>>, vector<16xf32>,
    %mul3A_20 = arith.constant 2.000000e+00 : f32
    %mul3A_21 = vector.broadcast %mul3A_20 : f32 to vector<16xf32>
    %mul3A_22 = arith.mulf %get3A_19, %mul3A_21 : vector<16xf32>
    %get3A_23 = arith.constant 16 : index
    %get3A_24 = tpu.vector_load %arg13[%get3A_23] {strides = array<i32>} : memref<128xf32, #tpu.memory_space<vmem>>, vector<16xf32>,
    %mul3A_25 = arith.constant 2.000000e+00 : f32
    %mul3A_26 = vector.broadcast %mul3A_25 : f32 to vector<16xf32>
    %mul3A_27 = arith.mulf %get3A_24, %mul3A_26 : vector<16xf32>
    %get3A_28 = arith.constant 32 : index
    %get3A_29 = tpu.vector_load %arg13[%get3A_28] {strides = array<i32>} : memref<128xf32, #tpu.memory_space<vmem>>, vector<16xf32>,
    %mul3A_30 = arith.constant 2.000000e+00 : f32
    %mul3A_31 = vector.broadcast %mul3A_30 : f32 to vector<16xf32>
    %mul3A_32 = arith.mulf %get3A_29, %mul3A_31 : vector<16xf32>
    %get3A_33 = arith.constant 48 : index
    %get3A_34 = tpu.vector_load %arg13[%get3A_33] {strides = array<i32>} : memref<128xf32, #tpu.memory_space<vmem>>, vector<16xf32>,
    %mul3A_35 = arith.constant 2.000000e+00 : f32
    %mul3A_36 = vector.broadcast %mul3A_35 : f32 to vector<16xf32>
    %mul3A_37 = arith.mulf %get3A_34, %mul3A_36 : vector<16xf32>
    %get3A_38 = arith.constant 64 : index
    %get3A_39 = tpu.vector_load %arg13[%get3A_38] {strides = array<i32>} : memref<128xf32, #tpu.memory_space<vmem>>, vector<16xf32>,
    %mul3A_40 = arith.constant 2.000000e+00 : f32
    %mul3A_41 = vector.broadcast %mul3A_40 : f32 to vector<16xf32>
    %mul3A_42 = arith.mulf %get3A_39, %mul3A_41 : vector<16xf32>
    %get3A_43 = arith.constant 80 : index
    %get3A_44 = tpu.vector_load %arg13[%get3A_43] {strides = array<i32>} : memref<128xf32, #tpu.memory_space<vmem>>, vector<16xf32>,
    %mul3A_45 = arith.constant 2.000000e+00 : f32
    %mul3A_46 = vector.broadcast %mul3A_45 : f32 to vector<16xf32>
    %mul3A_47 = arith.mulf %get3A_44, %mul3A_46 : vector<16xf32>
    %get3A_48 = arith.constant 96 : index
    %get3A_49 = tpu.vector_load %arg13[%get3A_48] {strides = array<i32>} : memref<128xf32, #tpu.memory_space<vmem>>, vector<16xf32>,
    %mul3A_50 = arith.constant 2.000000e+00 : f32
    %mul3A_51 = vector.broadcast %mul3A_50 : f32 to vector<16xf32>
    %mul3A_52 = arith.mulf %get3A_49, %mul3A_51 : vector<16xf32>
    %get3A_53 = arith.constant 112 : index
    %get3A_54 = tpu.vector_load %arg13[%get3A_53] {strides = array<i32>} : memref<128xf32, #tpu.memory_space<vmem>>, vector<16xf32>,
    %mul3A_55 = arith.constant 2.000000e+00 : f32
    %mul3A_56 = vector.broadcast %mul3A_55 : f32 to vector<16xf32>
    %mul3A_57 = arith.mulf %get3A_54, %mul3A_56 : vector<16xf32>
    %add3A_58 = arith.constant 0 : i32
    %add3A_59 = arith.addi %add3A, %add3A_58 : i32
    %dma_start3A = arith.constant 0 : i32
    %dma_start3A_60 = arith.constant 0 : i32
    %dma_start3A_61 = arith.constant 0 : i32
    %dma_start3A_62 = tpu.memref_slice %arg7[%dma_start3A_60, %dma_start3A_61] : memref<8x128xi32, #tpu.memory_space<vmem>> -> memref<4x128xi32, #tpu.memory_space<vmem>>
    %dma_start3A_63 = arith.constant 0 : i32
    %dma_start3A_64 = arith.constant 0 : i32
    %dma_start3A_65 = tpu.memref_slice %arg2[%add3A_59, %dma_start3A_63, %dma_start3A_64] : memref<2500x4x128xi32, #tpu.memory_space<hbm>> -> memref<1x4x128xi32, #tpu.memory_space<hbm>>
    %dma_start3A_66 = tpu.memref_squeeze %dma_start3A_65 : memref<1x4x128xi32, #tpu.memory_space<hbm>> -> memref<4x128xi32, #tpu.memory_space<hbm>>
    %dma_start3A_67 = tpu.memref_slice %arg15[%dma_start3A] : memref<2x!tpu.dma_semaphore, #tpu.memory_space<semaphore_mem>> -> memref<1x!tpu.dma_semaphore, #tpu.memory_space<semaphore_mem>>
    %dma_start3A_68 = tpu.memref_squeeze %dma_start3A_67 : memref<1x!tpu.dma_semaphore, #tpu.memory_space<semaphore_mem>> -> memref<!tpu.dma_semaphore, #tpu.memory_space<semaphore_mem>>
    %dma_start3A_69 = arith.constant 0 : i32
    %dma_start3A_70 = arith.constant 0 : i32
    %dma_start3A_71 = tpu.memref_slice %arg7[%dma_start3A_69, %dma_start3A_70] : memref<8x128xi32, #tpu.memory_space<vmem>> -> memref<4x128xi32, #tpu.memory_space<vmem>>
    %dma_start3A_72 = arith.constant 0 : i32
    %dma_start3A_73 = arith.constant 0 : i32
    %dma_start3A_74 = tpu.memref_slice %arg2[%add3A_59, %dma_start3A_72, %dma_start3A_73] : memref<2500x4x128xi32, #tpu.memory_space<hbm>> -> memref<1x4x128xi32, #tpu.memory_space<hbm>>
    %dma_start3A_75 = tpu.memref_squeeze %dma_start3A_74 : memref<1x4x128xi32, #tpu.memory_space<hbm>> -> memref<4x128xi32, #tpu.memory_space<hbm>>
    tpu.enqueue_dma source(%dma_start3A_75 : memref<4x128xi32, #tpu.memory_space<hbm>>) target(%dma_start3A_71 : memref<4x128xi32, #tpu.memory_space<vmem>>) target_semaphore(%dma_start3A_68 : memref<!tpu.dma_semaphore, #tpu.memory_space<semaphore_mem>>)
    %add3A_76 = arith.constant 32 : i32
    %add3A_77 = arith.addi %add3A, %add3A_76 : i32
    %dma_start3A_78 = arith.constant 1 : i32
    %dma_start3A_79 = arith.constant 4 : i32
    %dma_start3A_80 = arith.constant 0 : i32
    %dma_start3A_81 = tpu.memref_slice %arg7[%dma_start3A_79, %dma_start3A_80] : memref<8x128xi32, #tpu.memory_space<vmem>> -> memref<4x128xi32, #tpu.memory_space<vmem>>
    %dma_start3A_82 = arith.constant 0 : i32
    %dma_start3A_83 = arith.constant 0 : i32
    %dma_start3A_84 = tpu.memref_slice %arg2[%add3A_77, %dma_start3A_82, %dma_start3A_83] : memref<2500x4x128xi32, #tpu.memory_space<hbm>> -> memref<1x4x128xi32, #tpu.memory_space<hbm>>
    %dma_start3A_85 = tpu.memref_squeeze %dma_start3A_84 : memref<1x4x128xi32, #tpu.memory_space<hbm>> -> memref<4x128xi32, #tpu.memory_space<hbm>>
    %dma_start3A_86 = tpu.memref_slice %arg15[%dma_start3A_78] : memref<2x!tpu.dma_semaphore, #tpu.memory_space<semaphore_mem>> -> memref<1x!tpu.dma_semaphore, #tpu.memory_space<semaphore_mem>>
    %dma_start3A_87 = tpu.memref_squeeze %dma_start3A_86 : memref<1x!tpu.dma_semaphore, #tpu.memory_space<semaphore_mem>> -> memref<!tpu.dma_semaphore, #tpu.memory_space<semaphore_mem>>
    %dma_start3A_88 = arith.constant 4 : i32
    %dma_start3A_89 = arith.constant 0 : i32
    %dma_start3A_90 = tpu.memref_slice %arg7[%dma_start3A_88, %dma_start3A_89] : memref<8x128xi32, #tpu.memory_space<vmem>> -> memref<4x128xi32, #tpu.memory_space<vmem>>
    %dma_start3A_91 = arith.constant 0 : i32
    %dma_start3A_92 = arith.constant 0 : i32
    %dma_start3A_93 = tpu.memref_slice %arg2[%add3A_77, %dma_start3A_91, %dma_start3A_92] : memref<2500x4x128xi32, #tpu.memory_space<hbm>> -> memref<1x4x128xi32, #tpu.memory_space<hbm>>
    %dma_start3A_94 = tpu.memref_squeeze %dma_start3A_93 : memref<1x4x128xi32, #tpu.memory_space<hbm>> -> memref<4x128xi32, #tpu.memory_space<hbm>>
    tpu.enqueue_dma source(%dma_start3A_94 : memref<4x128xi32, #tpu.memory_space<hbm>>) target(%dma_start3A_90 : memref<4x128xi32, #tpu.memory_space<vmem>>) target_semaphore(%dma_start3A_87 : memref<!tpu.dma_semaphore, #tpu.memory_space<semaphore_mem>>)
    %scan3A = arith.constant 0 : i32
    %scan3A_95 = arith.constant 0 : i32
    %scan3A_96 = arith.constant 40 : i32
    %scan3A_97 = arith.addi %scan3A_95, %scan3A_96 : i32
    %scan3A_98 = arith.constant 1 : i32
    scf.for %scan3A_129 = %scan3A_95 to %scan3A_97 step %scan3A_98  : i32 {
      %mul3A_130 = arith.constant 2 : i32
      %mul3A_131 = arith.muli %scan3A_129, %mul3A_130 : i32
      %add3A_132 = arith.constant 0 : i32
      %add3A_133 = arith.addi %mul3A_131, %add3A_132 : i32
      %mul3A_134 = arith.constant 32 : i32
      %mul3A_135 = arith.muli %mul3A_134, %add3A_133 : i32
      %add3A_136 = arith.addi %add3A, %mul3A_135 : i32
      %lt3A = arith.constant 2500 : i32
      %lt3A_137 = arith.cmpi slt, %add3A_136, %lt3A : i32
      %convert_element_type3A_138 = arith.extui %lt3A_137 : i1 to i32
      %cond3A_139 = arith.constant 0 : i32
      %cond3A_140 = arith.cmpi ne, %convert_element_type3A_138, %cond3A_139 : i32
      scf.if %cond3A_140 {
        %dma_wait3A_195 = arith.constant 0 : i32
        %dma_wait3A_196 = arith.constant 0 : i32
        %dma_wait3A_197 = arith.constant 0 : i32
        %dma_wait3A_198 = arith.constant 0 : i32
        %dma_wait3A_199 = tpu.memref_slice %arg7[%dma_wait3A_197, %dma_wait3A_198] : memref<8x128xi32, #tpu.memory_space<vmem>> -> memref<4x128xi32, #tpu.memory_space<vmem>>
        %dma_wait3A_200 = arith.constant 0 : i32
        %dma_wait3A_201 = arith.constant 0 : i32
        %dma_wait3A_202 = tpu.memref_slice %arg2[%dma_wait3A_195, %dma_wait3A_200, %dma_wait3A_201] : memref<2500x4x128xi32, #tpu.memory_space<hbm>> -> memref<1x4x128xi32, #tpu.memory_space<hbm>>
        %dma_wait3A_203 = tpu.memref_squeeze %dma_wait3A_202 : memref<1x4x128xi32, #tpu.memory_space<hbm>> -> memref<4x128xi32, #tpu.memory_space<hbm>>
        %dma_wait3A_204 = tpu.memref_slice %arg15[%dma_wait3A_196] : memref<2x!tpu.dma_semaphore, #tpu.memory_space<semaphore_mem>> -> memref<1x!tpu.dma_semaphore, #tpu.memory_space<semaphore_mem>>
        %dma_wait3A_205 = tpu.memref_squeeze %dma_wait3A_204 : memref<1x!tpu.dma_semaphore, #tpu.memory_space<semaphore_mem>> -> memref<!tpu.dma_semaphore, #tpu.memory_space<semaphore_mem>>
        %dma_wait3A_206 = arith.constant 0 : i32
        %dma_wait3A_207 = arith.constant 0 : i32
        %dma_wait3A_208 = tpu.memref_slice %arg7[%dma_wait3A_206, %dma_wait3A_207] : memref<8x128xi32, #tpu.memory_space<vmem>> -> memref<4x128xi32, #tpu.memory_space<vmem>>
        %dma_wait3A_209 = arith.constant 0 : i32
        %dma_wait3A_210 = arith.constant 0 : i32
        %dma_wait3A_211 = tpu.memref_slice %arg2[%dma_wait3A_195, %dma_wait3A_209, %dma_wait3A_210] : memref<2500x4x128xi32, #tpu.memory_space<hbm>> -> memref<1x4x128xi32, #tpu.memory_space<hbm>>
        %dma_wait3A_212 = tpu.memref_squeeze %dma_wait3A_211 : memref<1x4x128xi32, #tpu.memory_space<hbm>> -> memref<4x128xi32, #tpu.memory_space<hbm>>
        tpu.wait_dma2 semaphore(%dma_wait3A_205 : memref<!tpu.dma_semaphore, #tpu.memory_space<semaphore_mem>>) src(%dma_wait3A_212 : memref<4x128xi32, #tpu.memory_space<hbm>>) dst(%dma_wait3A_208 : memref<4x128xi32, #tpu.memory_space<vmem>>)
        %get3A_213 = arith.constant 0 : i32
        %get3A_214 = arith.index_cast %get3A_213 : i32 to index
        %get3A_215 = arith.constant 0 : index
        %get3A_216 = tpu.vector_load %arg7[%get3A_214, %get3A_215] {strides = array<i32>} : memref<8x128xi32, #tpu.memory_space<vmem>>, vector<16xi32>,
        %swap3A = arith.constant 0 : index
        %swap3A_217 = tpu.vector_load %arg8[%swap3A] {strides = array<i32>} : memref<256xi32, #tpu.memory_space<vmem>>, vector<16xi32>,
        tpu.vector_store %arg8[%swap3A], %get3A_216 {strides = array<i32>} : memref<256xi32, #tpu.memory_space<vmem>>, vector<16xi32>,
        %get3A_218 = arith.constant 1 : i32
        %get3A_219 = arith.index_cast %get3A_218 : i32 to index
        %get3A_220 = arith.constant 0 : index
        %get3A_221 = tpu.vector_load %arg7[%get3A_219, %get3A_220] {strides = array<i32>} : memref<8x128xi32, #tpu.memory_space<vmem>>, vector<16xi32>,
        %swap3A_222 = arith.constant 0 : index
        %swap3A_223 = tpu.vector_load %arg9[%swap3A_222] {strides = array<i32>} : memref<256xi32, #tpu.memory_space<vmem>>, vector<16xi32>,
        tpu.vector_store %arg9[%swap3A_222], %get3A_221 {strides = array<i32>} : memref<256xi32, #tpu.memory_space<vmem>>, vector<16xi32>,
        %get3A_224 = arith.constant 2 : i32
        %get3A_225 = arith.index_cast %get3A_224 : i32 to index
        %get3A_226 = arith.constant 0 : index
        %get3A_227 = tpu.vector_load %arg7[%get3A_225, %get3A_226] {strides = array<i32>} : memref<8x128xi32, #tpu.memory_space<vmem>>, vector<16xi32>,
        %get3A_228 = arith.constant 3 : i32
        %get3A_229 = arith.index_cast %get3A_228 : i32 to index
        %get3A_230 = arith.constant 0 : index
        %get3A_231 = tpu.vector_load %arg7[%get3A_229, %get3A_230] {strides = array<i32>} : memref<8x128xi32, #tpu.memory_space<vmem>>, vector<16xi32>,
        %add3A_232 = arith.addi %get3A_227, %get3A_231 : vector<16xi32>
        %convert_element_type3A_233 = arith.sitofp %add3A_232 : vector<16xi32> to vector<16xf32>
        %swap3A_234 = arith.constant 0 : index
        %swap3A_235 = tpu.vector_load %arg10[%swap3A_234] {strides = array<i32>} : memref<256xf32, #tpu.memory_space<vmem>>, vector<16xf32>,
        tpu.vector_store %arg10[%swap3A_234], %convert_element_type3A_233 {strides = array<i32>} : memref<256xf32, #tpu.memory_space<vmem>>, vector<16xf32>,
        %get3A_236 = arith.constant 0 : i32
        %get3A_237 = arith.index_cast %get3A_236 : i32 to index
        %get3A_238 = arith.constant 16 : index
        %get3A_239 = tpu.vector_load %arg7[%get3A_237, %get3A_238] {strides = array<i32>} : memref<8x128xi32, #tpu.memory_space<vmem>>, vector<16xi32>,
        %swap3A_240 = arith.constant 16 : index
        %swap3A_241 = tpu.vector_load %arg8[%swap3A_240] {strides = array<i32>} : memref<256xi32, #tpu.memory_space<vmem>>, vector<16xi32>,
        tpu.vector_store %arg8[%swap3A_240], %get3A_239 {strides = array<i32>} : memref<256xi32, #tpu.memory_space<vmem>>, vector<16xi32>,
        %get3A_242 = arith.constant 1 : i32
        %get3A_243 = arith.index_cast %get3A_242 : i32 to index
        %get3A_244 = arith.constant 16 : index
        %get3A_245 = tpu.vector_load %arg7[%get3A_243, %get3A_244] {strides = array<i32>} : memref<8x128xi32, #tpu.memory_space<vmem>>, vector<16xi32>,
        %swap3A_246 = arith.constant 16 : index
        %swap3A_247 = tpu.vector_load %arg9[%swap3A_246] {strides = array<i32>} : memref<256xi32, #tpu.memory_space<vmem>>, vector<16xi32>,
        tpu.vector_store %arg9[%swap3A_246], %get3A_245 {strides = array<i32>} : memref<256xi32, #tpu.memory_space<vmem>>, vector<16xi32>,
        %get3A_248 = arith.constant 2 : i32
        %get3A_249 = arith.index_cast %get3A_248 : i32 to index
        %get3A_250 = arith.constant 16 : index
        %get3A_251 = tpu.vector_load %arg7[%get3A_249, %get3A_250] {strides = array<i32>} : memref<8x128xi32, #tpu.memory_space<vmem>>, vector<16xi32>,
        %get3A_252 = arith.constant 3 : i32
        %get3A_253 = arith.index_cast %get3A_252 : i32 to index
        %get3A_254 = arith.constant 16 : index
        %get3A_255 = tpu.vector_load %arg7[%get3A_253, %get3A_254] {strides = array<i32>} : memref<8x128xi32, #tpu.memory_space<vmem>>, vector<16xi32>,
        %add3A_256 = arith.addi %get3A_251, %get3A_255 : vector<16xi32>
        %convert_element_type3A_257 = arith.sitofp %add3A_256 : vector<16xi32> to vector<16xf32>
        %swap3A_258 = arith.constant 16 : index
        %swap3A_259 = tpu.vector_load %arg10[%swap3A_258] {strides = array<i32>} : memref<256xf32, #tpu.memory_space<vmem>>, vector<16xf32>,
        tpu.vector_store %arg10[%swap3A_258], %convert_element_type3A_257 {strides = array<i32>} : memref<256xf32, #tpu.memory_space<vmem>>, vector<16xf32>,
        %get3A_260 = arith.constant 0 : i32
        %get3A_261 = arith.index_cast %get3A_260 : i32 to index
        %get3A_262 = arith.constant 32 : index
        %get3A_263 = tpu.vector_load %arg7[%get3A_261, %get3A_262] {strides = array<i32>} : memref<8x128xi32, #tpu.memory_space<vmem>>, vector<16xi32>,
        %swap3A_264 = arith.constant 32 : index
        %swap3A_265 = tpu.vector_load %arg8[%swap3A_264] {strides = array<i32>} : memref<256xi32, #tpu.memory_space<vmem>>, vector<16xi32>,
        tpu.vector_store %arg8[%swap3A_264], %get3A_263 {strides = array<i32>} : memref<256xi32, #tpu.memory_space<vmem>>, vector<16xi32>,
        %get3A_266 = arith.constant 1 : i32
        %get3A_267 = arith.index_cast %get3A_266 : i32 to index
        %get3A_268 = arith.constant 32 : index
        %get3A_269 = tpu.vector_load %arg7[%get3A_267, %get3A_268] {strides = array<i32>} : memref<8x128xi32, #tpu.memory_space<vmem>>, vector<16xi32>,
        %swap3A_270 = arith.constant 32 : index
        %swap3A_271 = tpu.vector_load %arg9[%swap3A_270] {strides = array<i32>} : memref<256xi32, #tpu.memory_space<vmem>>, vector<16xi32>,
        tpu.vector_store %arg9[%swap3A_270], %get3A_269 {strides = array<i32>} : memref<256xi32, #tpu.memory_space<vmem>>, vector<16xi32>,
        %get3A_272 = arith.constant 2 : i32
        %get3A_273 = arith.index_cast %get3A_272 : i32 to index
        %get3A_274 = arith.constant 32 : index
        %get3A_275 = tpu.vector_load %arg7[%get3A_273, %get3A_274] {strides = array<i32>} : memref<8x128xi32, #tpu.memory_space<vmem>>, vector<16xi32>,
        %get3A_276 = arith.constant 3 : i32
        %get3A_277 = arith.index_cast %get3A_276 : i32 to index
        %get3A_278 = arith.constant 32 : index
        %get3A_279 = tpu.vector_load %arg7[%get3A_277, %get3A_278] {strides = array<i32>} : memref<8x128xi32, #tpu.memory_space<vmem>>, vector<16xi32>,
        %add3A_280 = arith.addi %get3A_275, %get3A_279 : vector<16xi32>
        %convert_element_type3A_281 = arith.sitofp %add3A_280 : vector<16xi32> to vector<16xf32>
        %swap3A_282 = arith.constant 32 : index
        %swap3A_283 = tpu.vector_load %arg10[%swap3A_282] {strides = array<i32>} : memref<256xf32, #tpu.memory_space<vmem>>, vector<16xf32>,
        tpu.vector_store %arg10[%swap3A_282], %convert_element_type3A_281 {strides = array<i32>} : memref<256xf32, #tpu.memory_space<vmem>>, vector<16xf32>,
        %get3A_284 = arith.constant 0 : i32
        %get3A_285 = arith.index_cast %get3A_284 : i32 to index
        %get3A_286 = arith.constant 48 : index
        %get3A_287 = tpu.vector_load %arg7[%get3A_285, %get3A_286] {strides = array<i32>} : memref<8x128xi32, #tpu.memory_space<vmem>>, vector<16xi32>,
        %swap3A_288 = arith.constant 48 : index
        %swap3A_289 = tpu.vector_load %arg8[%swap3A_288] {strides = array<i32>} : memref<256xi32, #tpu.memory_space<vmem>>, vector<16xi32>,
        tpu.vector_store %arg8[%swap3A_288], %get3A_287 {strides = array<i32>} : memref<256xi32, #tpu.memory_space<vmem>>, vector<16xi32>,
        %get3A_290 = arith.constant 1 : i32
        %get3A_291 = arith.index_cast %get3A_290 : i32 to index
        %get3A_292 = arith.constant 48 : index
        %get3A_293 = tpu.vector_load %arg7[%get3A_291, %get3A_292] {strides = array<i32>} : memref<8x128xi32, #tpu.memory_space<vmem>>, vector<16xi32>,
        %swap3A_294 = arith.constant 48 : index
        %swap3A_295 = tpu.vector_load %arg9[%swap3A_294] {strides = array<i32>} : memref<256xi32, #tpu.memory_space<vmem>>, vector<16xi32>,
        tpu.vector_store %arg9[%swap3A_294], %get3A_293 {strides = array<i32>} : memref<256xi32, #tpu.memory_space<vmem>>, vector<16xi32>,
        %get3A_296 = arith.constant 2 : i32
        %get3A_297 = arith.index_cast %get3A_296 : i32 to index
        %get3A_298 = arith.constant 48 : index
        %get3A_299 = tpu.vector_load %arg7[%get3A_297, %get3A_298] {strides = array<i32>} : memref<8x128xi32, #tpu.memory_space<vmem>>, vector<16xi32>,
        %get3A_300 = arith.constant 3 : i32
        %get3A_301 = arith.index_cast %get3A_300 : i32 to index
        %get3A_302 = arith.constant 48 : index
        %get3A_303 = tpu.vector_load %arg7[%get3A_301, %get3A_302] {strides = array<i32>} : memref<8x128xi32, #tpu.memory_space<vmem>>, vector<16xi32>,
        %add3A_304 = arith.addi %get3A_299, %get3A_303 : vector<16xi32>
        %convert_element_type3A_305 = arith.sitofp %add3A_304 : vector<16xi32> to vector<16xf32>
        %swap3A_306 = arith.constant 48 : index
        %swap3A_307 = tpu.vector_load %arg10[%swap3A_306] {strides = array<i32>} : memref<256xf32, #tpu.memory_space<vmem>>, vector<16xf32>,
        tpu.vector_store %arg10[%swap3A_306], %convert_element_type3A_305 {strides = array<i32>} : memref<256xf32, #tpu.memory_space<vmem>>, vector<16xf32>,
        %get3A_308 = arith.constant 0 : i32
        %get3A_309 = arith.index_cast %get3A_308 : i32 to index
        %get3A_310 = arith.constant 64 : index
        %get3A_311 = tpu.vector_load %arg7[%get3A_309, %get3A_310] {strides = array<i32>} : memref<8x128xi32, #tpu.memory_space<vmem>>, vector<16xi32>,
        %swap3A_312 = arith.constant 64 : index
        %swap3A_313 = tpu.vector_load %arg8[%swap3A_312] {strides = array<i32>} : memref<256xi32, #tpu.memory_space<vmem>>, vector<16xi32>,
        tpu.vector_store %arg8[%swap3A_312], %get3A_311 {strides = array<i32>} : memref<256xi32, #tpu.memory_space<vmem>>, vector<16xi32>,
        %get3A_314 = arith.constant 1 : i32
        %get3A_315 = arith.index_cast %get3A_314 : i32 to index
        %get3A_316 = arith.constant 64 : index
        %get3A_317 = tpu.vector_load %arg7[%get3A_315, %get3A_316] {strides = array<i32>} : memref<8x128xi32, #tpu.memory_space<vmem>>, vector<16xi32>,
        %swap3A_318 = arith.constant 64 : index
        %swap3A_319 = tpu.vector_load %arg9[%swap3A_318] {strides = array<i32>} : memref<256xi32, #tpu.memory_space<vmem>>, vector<16xi32>,
        tpu.vector_store %arg9[%swap3A_318], %get3A_317 {strides = array<i32>} : memref<256xi32, #tpu.memory_space<vmem>>, vector<16xi32>,
        %get3A_320 = arith.constant 2 : i32
        %get3A_321 = arith.index_cast %get3A_320 : i32 to index
        %get3A_322 = arith.constant 64 : index
        %get3A_323 = tpu.vector_load %arg7[%get3A_321, %get3A_322] {strides = array<i32>} : memref<8x128xi32, #tpu.memory_space<vmem>>, vector<16xi32>,
        %get3A_324 = arith.constant 3 : i32
        %get3A_325 = arith.index_cast %get3A_324 : i32 to index
        %get3A_326 = arith.constant 64 : index
        %get3A_327 = tpu.vector_load %arg7[%get3A_325, %get3A_326] {strides = array<i32>} : memref<8x128xi32, #tpu.memory_space<vmem>>, vector<16xi32>,
        %add3A_328 = arith.addi %get3A_323, %get3A_327 : vector<16xi32>
        %convert_element_type3A_329 = arith.sitofp %add3A_328 : vector<16xi32> to vector<16xf32>
        %swap3A_330 = arith.constant 64 : index
        %swap3A_331 = tpu.vector_load %arg10[%swap3A_330] {strides = array<i32>} : memref<256xf32, #tpu.memory_space<vmem>>, vector<16xf32>,
        tpu.vector_store %arg10[%swap3A_330], %convert_element_type3A_329 {strides = array<i32>} : memref<256xf32, #tpu.memory_space<vmem>>, vector<16xf32>,
        %get3A_332 = arith.constant 0 : i32
        %get3A_333 = arith.index_cast %get3A_332 : i32 to index
        %get3A_334 = arith.constant 80 : index
        %get3A_335 = tpu.vector_load %arg7[%get3A_333, %get3A_334] {strides = array<i32>} : memref<8x128xi32, #tpu.memory_space<vmem>>, vector<16xi32>,
        %swap3A_336 = arith.constant 80 : index
        %swap3A_337 = tpu.vector_load %arg8[%swap3A_336] {strides = array<i32>} : memref<256xi32, #tpu.memory_space<vmem>>, vector<16xi32>,
        tpu.vector_store %arg8[%swap3A_336], %get3A_335 {strides = array<i32>} : memref<256xi32, #tpu.memory_space<vmem>>, vector<16xi32>,
        %get3A_338 = arith.constant 1 : i32
        %get3A_339 = arith.index_cast %get3A_338 : i32 to index
        %get3A_340 = arith.constant 80 : index
        %get3A_341 = tpu.vector_load %arg7[%get3A_339, %get3A_340] {strides = array<i32>} : memref<8x128xi32, #tpu.memory_space<vmem>>, vector<16xi32>,
        %swap3A_342 = arith.constant 80 : index
        %swap3A_343 = tpu.vector_load %arg9[%swap3A_342] {strides = array<i32>} : memref<256xi32, #tpu.memory_space<vmem>>, vector<16xi32>,
        tpu.vector_store %arg9[%swap3A_342], %get3A_341 {strides = array<i32>} : memref<256xi32, #tpu.memory_space<vmem>>, vector<16xi32>,
        %get3A_344 = arith.constant 2 : i32
        %get3A_345 = arith.index_cast %get3A_344 : i32 to index
        %get3A_346 = arith.constant 80 : index
        %get3A_347 = tpu.vector_load %arg7[%get3A_345, %get3A_346] {strides = array<i32>} : memref<8x128xi32, #tpu.memory_space<vmem>>, vector<16xi32>,
        %get3A_348 = arith.constant 3 : i32
        %get3A_349 = arith.index_cast %get3A_348 : i32 to index
        %get3A_350 = arith.constant 80 : index
        %get3A_351 = tpu.vector_load %arg7[%get3A_349, %get3A_350] {strides = array<i32>} : memref<8x128xi32, #tpu.memory_space<vmem>>, vector<16xi32>,
        %add3A_352 = arith.addi %get3A_347, %get3A_351 : vector<16xi32>
        %convert_element_type3A_353 = arith.sitofp %add3A_352 : vector<16xi32> to vector<16xf32>
        %swap3A_354 = arith.constant 80 : index
        %swap3A_355 = tpu.vector_load %arg10[%swap3A_354] {strides = array<i32>} : memref<256xf32, #tpu.memory_space<vmem>>, vector<16xf32>,
        tpu.vector_store %arg10[%swap3A_354], %convert_element_type3A_353 {strides = array<i32>} : memref<256xf32, #tpu.memory_space<vmem>>, vector<16xf32>,
        %get3A_356 = arith.constant 0 : i32
        %get3A_357 = arith.index_cast %get3A_356 : i32 to index
        %get3A_358 = arith.constant 96 : index
        %get3A_359 = tpu.vector_load %arg7[%get3A_357, %get3A_358] {strides = array<i32>} : memref<8x128xi32, #tpu.memory_space<vmem>>, vector<16xi32>,
        %swap3A_360 = arith.constant 96 : index
        %swap3A_361 = tpu.vector_load %arg8[%swap3A_360] {strides = array<i32>} : memref<256xi32, #tpu.memory_space<vmem>>, vector<16xi32>,
        tpu.vector_store %arg8[%swap3A_360], %get3A_359 {strides = array<i32>} : memref<256xi32, #tpu.memory_space<vmem>>, vector<16xi32>,
        %get3A_362 = arith.constant 1 : i32
        %get3A_363 = arith.index_cast %get3A_362 : i32 to index
        %get3A_364 = arith.constant 96 : index
        %get3A_365 = tpu.vector_load %arg7[%get3A_363, %get3A_364] {strides = array<i32>} : memref<8x128xi32, #tpu.memory_space<vmem>>, vector<16xi32>,
        %swap3A_366 = arith.constant 96 : index
        %swap3A_367 = tpu.vector_load %arg9[%swap3A_366] {strides = array<i32>} : memref<256xi32, #tpu.memory_space<vmem>>, vector<16xi32>,
        tpu.vector_store %arg9[%swap3A_366], %get3A_365 {strides = array<i32>} : memref<256xi32, #tpu.memory_space<vmem>>, vector<16xi32>,
        %get3A_368 = arith.constant 2 : i32
        %get3A_369 = arith.index_cast %get3A_368 : i32 to index
        %get3A_370 = arith.constant 96 : index
        %get3A_371 = tpu.vector_load %arg7[%get3A_369, %get3A_370] {strides = array<i32>} : memref<8x128xi32, #tpu.memory_space<vmem>>, vector<16xi32>,
        %get3A_372 = arith.constant 3 : i32
        %get3A_373 = arith.index_cast %get3A_372 : i32 to index
        %get3A_374 = arith.constant 96 : index
        %get3A_375 = tpu.vector_load %arg7[%get3A_373, %get3A_374] {strides = array<i32>} : memref<8x128xi32, #tpu.memory_space<vmem>>, vector<16xi32>,
        %add3A_376 = arith.addi %get3A_371, %get3A_375 : vector<16xi32>
        %convert_element_type3A_377 = arith.sitofp %add3A_376 : vector<16xi32> to vector<16xf32>
        %swap3A_378 = arith.constant 96 : index
        %swap3A_379 = tpu.vector_load %arg10[%swap3A_378] {strides = array<i32>} : memref<256xf32, #tpu.memory_space<vmem>>, vector<16xf32>,
        tpu.vector_store %arg10[%swap3A_378], %convert_element_type3A_377 {strides = array<i32>} : memref<256xf32, #tpu.memory_space<vmem>>, vector<16xf32>,
        %get3A_380 = arith.constant 0 : i32
        %get3A_381 = arith.index_cast %get3A_380 : i32 to index
        %get3A_382 = arith.constant 112 : index
        %get3A_383 = tpu.vector_load %arg7[%get3A_381, %get3A_382] {strides = array<i32>} : memref<8x128xi32, #tpu.memory_space<vmem>>, vector<16xi32>,
        %swap3A_384 = arith.constant 112 : index
        %swap3A_385 = tpu.vector_load %arg8[%swap3A_384] {strides = array<i32>} : memref<256xi32, #tpu.memory_space<vmem>>, vector<16xi32>,
        tpu.vector_store %arg8[%swap3A_384], %get3A_383 {strides = array<i32>} : memref<256xi32, #tpu.memory_space<vmem>>, vector<16xi32>,
        %get3A_386 = arith.constant 1 : i32
        %get3A_387 = arith.index_cast %get3A_386 : i32 to index
        %get3A_388 = arith.constant 112 : index
        %get3A_389 = tpu.vector_load %arg7[%get3A_387, %get3A_388] {strides = array<i32>} : memref<8x128xi32, #tpu.memory_space<vmem>>, vector<16xi32>,
        %swap3A_390 = arith.constant 112 : index
        %swap3A_391 = tpu.vector_load %arg9[%swap3A_390] {strides = array<i32>} : memref<256xi32, #tpu.memory_space<vmem>>, vector<16xi32>,
        tpu.vector_store %arg9[%swap3A_390], %get3A_389 {strides = array<i32>} : memref<256xi32, #tpu.memory_space<vmem>>, vector<16xi32>,
        %get3A_392 = arith.constant 2 : i32
        %get3A_393 = arith.index_cast %get3A_392 : i32 to index
        %get3A_394 = arith.constant 112 : index
        %get3A_395 = tpu.vector_load %arg7[%get3A_393, %get3A_394] {strides = array<i32>} : memref<8x128xi32, #tpu.memory_space<vmem>>, vector<16xi32>,
        %get3A_396 = arith.constant 3 : i32
        %get3A_397 = arith.index_cast %get3A_396 : i32 to index
        %get3A_398 = arith.constant 112 : index
        %get3A_399 = tpu.vector_load %arg7[%get3A_397, %get3A_398] {strides = array<i32>} : memref<8x128xi32, #tpu.memory_space<vmem>>, vector<16xi32>,
        %add3A_400 = arith.addi %get3A_395, %get3A_399 : vector<16xi32>
        %convert_element_type3A_401 = arith.sitofp %add3A_400 : vector<16xi32> to vector<16xf32>
        %swap3A_402 = arith.constant 112 : index
        %swap3A_403 = tpu.vector_load %arg10[%swap3A_402] {strides = array<i32>} : memref<256xf32, #tpu.memory_space<vmem>>, vector<16xf32>,
        tpu.vector_store %arg10[%swap3A_402], %convert_element_type3A_401 {strides = array<i32>} : memref<256xf32, #tpu.memory_space<vmem>>, vector<16xf32>,
        %gt3A = arith.constant 0 : i32
        %gt3A_404 = arith.cmpi sgt, %scan3A_129, %gt3A : i32
        %convert_element_type3A_405 = arith.extui %gt3A_404 : i1 to i32
        %cond3A_406 = arith.constant 0 : i32
        %cond3A_407 = arith.cmpi ne, %convert_element_type3A_405, %cond3A_406 : i32
        scf.if %cond3A_407 {
          %dma_wait3A_454 = arith.constant 0 : i32
          %dma_wait3A_455 = arith.constant 0 : i32
          %dma_wait3A_456 = arith.constant 0 : i32
          %dma_wait3A_457 = tpu.memref_slice %arg11[%dma_wait3A_455, %dma_wait3A_456] : memref<256x128xf32, #tpu.memory_space<vmem>> -> memref<128x128xf32, #tpu.memory_space<vmem>>
          %dma_wait3A_458 = arith.constant 0 : i32
          %dma_wait3A_459 = arith.constant 0 : i32
          %dma_wait3A_460 = tpu.memref_slice %arg6[%dma_wait3A_458, %dma_wait3A_459] : memref<320000x128xf32, #tpu.memory_space<hbm>> -> memref<128x128xf32, #tpu.memory_space<hbm>>
          %dma_wait3A_461 = tpu.memref_slice %arg17[%dma_wait3A_454] : memref<2x!tpu.dma_semaphore, #tpu.memory_space<semaphore_mem>> -> memref<1x!tpu.dma_semaphore, #tpu.memory_space<semaphore_mem>>
          %dma_wait3A_462 = tpu.memref_squeeze %dma_wait3A_461 : memref<1x!tpu.dma_semaphore, #tpu.memory_space<semaphore_mem>> -> memref<!tpu.dma_semaphore, #tpu.memory_space<semaphore_mem>>
          %dma_wait3A_463 = arith.constant 0 : i32
          %dma_wait3A_464 = arith.constant 0 : i32
          %dma_wait3A_465 = tpu.memref_slice %arg11[%dma_wait3A_463, %dma_wait3A_464] : memref<256x128xf32, #tpu.memory_space<vmem>> -> memref<128x128xf32, #tpu.memory_space<vmem>>
          %dma_wait3A_466 = arith.constant 0 : i32
          %dma_wait3A_467 = arith.constant 0 : i32
          %dma_wait3A_468 = tpu.memref_slice %arg6[%dma_wait3A_466, %dma_wait3A_467] : memref<320000x128xf32, #tpu.memory_space<hbm>> -> memref<128x128xf32, #tpu.memory_space<hbm>>
          tpu.wait_dma2 semaphore(%dma_wait3A_462 : memref<!tpu.dma_semaphore, #tpu.memory_space<semaphore_mem>>) src(%dma_wait3A_468 : memref<128x128xf32, #tpu.memory_space<hbm>>) dst(%dma_wait3A_465 : memref<128x128xf32, #tpu.memory_space<vmem>>)
        } else {
        }
        %parallel_loop3A = arith.constant 0 : i32
        %parallel_loop3A_408 = arith.constant 128 : i32
        %parallel_loop3A_409 = arith.constant 1 : i32
        scf.for %parallel_loop3A_454 = %parallel_loop3A to %parallel_loop3A_408 step %parallel_loop3A_409  : i32 {
          %parallel_loop3A_455 = vector.broadcast %parallel_loop3A_454 : i32 to vector<16xi32>
          %parallel_loop3A_456 = arith.constant 0 : i32
          %parallel_loop3A_457 = tpu.memref_slice %arg10[%parallel_loop3A_456] : memref<256xf32, #tpu.memory_space<vmem>> -> memref<128xf32, #tpu.memory_space<vmem>>
          %parallel_loop3A_458 = tpu.vector_load_idx %parallel_loop3A_457[%parallel_loop3A_455] : memref<128xf32, #tpu.memory_space<vmem>>[vector<16xi32>], vector<16xf32>,
          %parallel_loop3A_459 = arith.mulf %parallel_loop3A_458, %get3A_3 : vector<16xf32>
          %parallel_loop3A_460 = arith.addf %parallel_loop3A_459, %mul3A_22 : vector<16xf32>
          %parallel_loop3A_461 = arith.constant 0 : i32
          %parallel_loop3A_462 = arith.constant 0 : i32
          %parallel_loop3A_463 = tpu.memref_slice %arg11[%parallel_loop3A_461, %parallel_loop3A_462] : memref<256x128xf32, #tpu.memory_space<vmem>> -> memref<128x128xf32, #tpu.memory_space<vmem>>
          %parallel_loop3A_464 = arith.index_cast %parallel_loop3A_454 : i32 to index
          %parallel_loop3A_465 = arith.constant 0 : index
          %parallel_loop3A_466 = tpu.vector_load %parallel_loop3A_463[%parallel_loop3A_464, %parallel_loop3A_465] {strides = array<i32>} : memref<128x128xf32, #tpu.memory_space<vmem>>, vector<16xf32>,
          tpu.vector_store %parallel_loop3A_463[%parallel_loop3A_464, %parallel_loop3A_465], %parallel_loop3A_460 {strides = array<i32>} : memref<128x128xf32, #tpu.memory_space<vmem>>, vector<16xf32>,
          %parallel_loop3A_467 = arith.mulf %parallel_loop3A_458, %get3A_5 : vector<16xf32>
          %parallel_loop3A_468 = arith.addf %parallel_loop3A_467, %mul3A_27 : vector<16xf32>
          %parallel_loop3A_469 = arith.constant 0 : i32
          %parallel_loop3A_470 = arith.constant 0 : i32
          %parallel_loop3A_471 = tpu.memref_slice %arg11[%parallel_loop3A_469, %parallel_loop3A_470] : memref<256x128xf32, #tpu.memory_space<vmem>> -> memref<128x128xf32, #tpu.memory_space<vmem>>
          %parallel_loop3A_472 = arith.index_cast %parallel_loop3A_454 : i32 to index
          %parallel_loop3A_473 = arith.constant 16 : index
          %parallel_loop3A_474 = tpu.vector_load %parallel_loop3A_471[%parallel_loop3A_472, %parallel_loop3A_473] {strides = array<i32>} : memref<128x128xf32, #tpu.memory_space<vmem>>, vector<16xf32>,
          tpu.vector_store %parallel_loop3A_471[%parallel_loop3A_472, %parallel_loop3A_473], %parallel_loop3A_468 {strides = array<i32>} : memref<128x128xf32, #tpu.memory_space<vmem>>, vector<16xf32>,
          %parallel_loop3A_475 = arith.mulf %parallel_loop3A_458, %get3A_7 : vector<16xf32>
          %parallel_loop3A_476 = arith.addf %parallel_loop3A_475, %mul3A_32 : vector<16xf32>
          %parallel_loop3A_477 = arith.constant 0 : i32
          %parallel_loop3A_478 = arith.constant 0 : i32
          %parallel_loop3A_479 = tpu.memref_slice %arg11[%parallel_loop3A_477, %parallel_loop3A_478] : memref<256x128xf32, #tpu.memory_space<vmem>> -> memref<128x128xf32, #tpu.memory_space<vmem>>
          %parallel_loop3A_480 = arith.index_cast %parallel_loop3A_454 : i32 to index
          %parallel_loop3A_481 = arith.constant 32 : index
          %parallel_loop3A_482 = tpu.vector_load %parallel_loop3A_479[%parallel_loop3A_480, %parallel_loop3A_481] {strides = array<i32>} : memref<128x128xf32, #tpu.memory_space<vmem>>, vector<16xf32>,
          tpu.vector_store %parallel_loop3A_479[%parallel_loop3A_480, %parallel_loop3A_481], %parallel_loop3A_476 {strides = array<i32>} : memref<128x128xf32, #tpu.memory_space<vmem>>, vector<16xf32>,
          %parallel_loop3A_483 = arith.mulf %parallel_loop3A_458, %get3A_9 : vector<16xf32>
          %parallel_loop3A_484 = arith.addf %parallel_loop3A_483, %mul3A_37 : vector<16xf32>
          %parallel_loop3A_485 = arith.constant 0 : i32
          %parallel_loop3A_486 = arith.constant 0 : i32
          %parallel_loop3A_487 = tpu.memref_slice %arg11[%parallel_loop3A_485, %parallel_loop3A_486] : memref<256x128xf32, #tpu.memory_space<vmem>> -> memref<128x128xf32, #tpu.memory_space<vmem>>
          %parallel_loop3A_488 = arith.index_cast %parallel_loop3A_454 : i32 to index
          %parallel_loop3A_489 = arith.constant 48 : index
          %parallel_loop3A_490 = tpu.vector_load %parallel_loop3A_487[%parallel_loop3A_488, %parallel_loop3A_489] {strides = array<i32>} : memref<128x128xf32, #tpu.memory_space<vmem>>, vector<16xf32>,
          tpu.vector_store %parallel_loop3A_487[%parallel_loop3A_488, %parallel_loop3A_489], %parallel_loop3A_484 {strides = array<i32>} : memref<128x128xf32, #tpu.memory_space<vmem>>, vector<16xf32>,
          %parallel_loop3A_491 = arith.mulf %parallel_loop3A_458, %get3A_11 : vector<16xf32>
          %parallel_loop3A_492 = arith.addf %parallel_loop3A_491, %mul3A_42 : vector<16xf32>
          %parallel_loop3A_493 = arith.constant 0 : i32
          %parallel_loop3A_494 = arith.constant 0 : i32
          %parallel_loop3A_495 = tpu.memref_slice %arg11[%parallel_loop3A_493, %parallel_loop3A_494] : memref<256x128xf32, #tpu.memory_space<vmem>> -> memref<128x128xf32, #tpu.memory_space<vmem>>
          %parallel_loop3A_496 = arith.index_cast %parallel_loop3A_454 : i32 to index
          %parallel_loop3A_497 = arith.constant 64 : index
          %parallel_loop3A_498 = tpu.vector_load %parallel_loop3A_495[%parallel_loop3A_496, %parallel_loop3A_497] {strides = array<i32>} : memref<128x128xf32, #tpu.memory_space<vmem>>, vector<16xf32>,
          tpu.vector_store %parallel_loop3A_495[%parallel_loop3A_496, %parallel_loop3A_497], %parallel_loop3A_492 {strides = array<i32>} : memref<128x128xf32, #tpu.memory_space<vmem>>, vector<16xf32>,
          %parallel_loop3A_499 = arith.mulf %parallel_loop3A_458, %get3A_13 : vector<16xf32>
          %parallel_loop3A_500 = arith.addf %parallel_loop3A_499, %mul3A_47 : vector<16xf32>
          %parallel_loop3A_501 = arith.constant 0 : i32
          %parallel_loop3A_502 = arith.constant 0 : i32
          %parallel_loop3A_503 = tpu.memref_slice %arg11[%parallel_loop3A_501, %parallel_loop3A_502] : memref<256x128xf32, #tpu.memory_space<vmem>> -> memref<128x128xf32, #tpu.memory_space<vmem>>
          %parallel_loop3A_504 = arith.index_cast %parallel_loop3A_454 : i32 to index
          %parallel_loop3A_505 = arith.constant 80 : index
          %parallel_loop3A_506 = tpu.vector_load %parallel_loop3A_503[%parallel_loop3A_504, %parallel_loop3A_505] {strides = array<i32>} : memref<128x128xf32, #tpu.memory_space<vmem>>, vector<16xf32>,
          tpu.vector_store %parallel_loop3A_503[%parallel_loop3A_504, %parallel_loop3A_505], %parallel_loop3A_500 {strides = array<i32>} : memref<128x128xf32, #tpu.memory_space<vmem>>, vector<16xf32>,
          %parallel_loop3A_507 = arith.mulf %parallel_loop3A_458, %get3A_15 : vector<16xf32>
          %parallel_loop3A_508 = arith.addf %parallel_loop3A_507, %mul3A_52 : vector<16xf32>
          %parallel_loop3A_509 = arith.constant 0 : i32
          %parallel_loop3A_510 = arith.constant 0 : i32
          %parallel_loop3A_511 = tpu.memref_slice %arg11[%parallel_loop3A_509, %parallel_loop3A_510] : memref<256x128xf32, #tpu.memory_space<vmem>> -> memref<128x128xf32, #tpu.memory_space<vmem>>
          %parallel_loop3A_512 = arith.index_cast %parallel_loop3A_454 : i32 to index
          %parallel_loop3A_513 = arith.constant 96 : index
          %parallel_loop3A_514 = tpu.vector_load %parallel_loop3A_511[%parallel_loop3A_512, %parallel_loop3A_513] {strides = array<i32>} : memref<128x128xf32, #tpu.memory_space<vmem>>, vector<16xf32>,
          tpu.vector_store %parallel_loop3A_511[%parallel_loop3A_512, %parallel_loop3A_513], %parallel_loop3A_508 {strides = array<i32>} : memref<128x128xf32, #tpu.memory_space<vmem>>, vector<16xf32>,
          %parallel_loop3A_515 = arith.mulf %parallel_loop3A_458, %get3A_17 : vector<16xf32>
          %parallel_loop3A_516 = arith.addf %parallel_loop3A_515, %mul3A_57 : vector<16xf32>
          %parallel_loop3A_517 = arith.constant 0 : i32
          %parallel_loop3A_518 = arith.constant 0 : i32
          %parallel_loop3A_519 = tpu.memref_slice %arg11[%parallel_loop3A_517, %parallel_loop3A_518] : memref<256x128xf32, #tpu.memory_space<vmem>> -> memref<128x128xf32, #tpu.memory_space<vmem>>
          %parallel_loop3A_520 = arith.index_cast %parallel_loop3A_454 : i32 to index
          %parallel_loop3A_521 = arith.constant 112 : index
          %parallel_loop3A_522 = tpu.vector_load %parallel_loop3A_519[%parallel_loop3A_520, %parallel_loop3A_521] {strides = array<i32>} : memref<128x128xf32, #tpu.memory_space<vmem>>, vector<16xf32>,
          tpu.vector_store %parallel_loop3A_519[%parallel_loop3A_520, %parallel_loop3A_521], %parallel_loop3A_516 {strides = array<i32>} : memref<128x128xf32, #tpu.memory_space<vmem>>, vector<16xf32>,
        } {sc.loop_unroll_factor = 4 : i64, sc.parallel_access}
        %dma_start3A_410 = arith.constant 0 : i32
        %dma_start3A_411 = arith.constant 0 : i32
        %dma_start3A_412 = arith.constant 0 : i32
        %dma_start3A_413 = tpu.memref_slice %arg11[%dma_start3A_411, %dma_start3A_412] : memref<256x128xf32, #tpu.memory_space<vmem>> -> memref<64x128xf32, #tpu.memory_space<vmem>>
        %dma_start3A_414 = arith.constant 0 : i32
        %dma_start3A_415 = tpu.memref_slice %arg8[%dma_start3A_414] : memref<256xi32, #tpu.memory_space<vmem>> -> memref<64xi32, #tpu.memory_space<vmem>>
        %dma_start3A_416 = arith.constant 0 : i32
        %dma_start3A_417 = arith.constant 0 : i32
        %dma_start3A_418 = tpu.memref_slice %arg14[%dma_start3A_416, %dma_start3A_417] : memref<10000x128xf32, #tpu.memory_space<vmem_shared>> -> memref<10000x128xf32, #tpu.memory_space<vmem_shared>>
        %dma_start3A_419 = tpu.memref_slice %arg16[%dma_start3A_410] : memref<2x!tpu.dma_semaphore, #tpu.memory_space<semaphore_mem>> -> memref<1x!tpu.dma_semaphore, #tpu.memory_space<semaphore_mem>>
        %dma_start3A_420 = tpu.memref_squeeze %dma_start3A_419 : memref<1x!tpu.dma_semaphore, #tpu.memory_space<semaphore_mem>> -> memref<!tpu.dma_semaphore, #tpu.memory_space<semaphore_mem>>
        tpu.enqueue_indirect_dma source(%dma_start3A_418 : memref<10000x128xf32, #tpu.memory_space<vmem_shared>>) target(%dma_start3A_413 : memref<64x128xf32, #tpu.memory_space<vmem>>) offsets(%dma_start3A_415 : memref<64xi32, #tpu.memory_space<vmem>>) semaphore(%dma_start3A_420 : memref<!tpu.dma_semaphore, #tpu.memory_space<semaphore_mem>>) {add = true}
        %dma_start3A_421 = arith.constant 0 : i32
        %dma_start3A_422 = arith.constant 0 : i32
        %dma_start3A_423 = arith.constant 0 : i32
        %dma_start3A_424 = tpu.memref_slice %arg11[%dma_start3A_422, %dma_start3A_423] : memref<256x128xf32, #tpu.memory_space<vmem>> -> memref<64x128xf32, #tpu.memory_space<vmem>>
        %dma_start3A_425 = arith.constant 0 : i32
        %dma_start3A_426 = tpu.memref_slice %arg9[%dma_start3A_425] : memref<256xi32, #tpu.memory_space<vmem>> -> memref<64xi32, #tpu.memory_space<vmem>>
        %dma_start3A_427 = arith.constant 0 : i32
        %dma_start3A_428 = arith.constant 0 : i32
        %dma_start3A_429 = tpu.memref_slice %arg14[%dma_start3A_427, %dma_start3A_428] : memref<10000x128xf32, #tpu.memory_space<vmem_shared>> -> memref<10000x128xf32, #tpu.memory_space<vmem_shared>>
        %dma_start3A_430 = tpu.memref_slice %arg16[%dma_start3A_421] : memref<2x!tpu.dma_semaphore, #tpu.memory_space<semaphore_mem>> -> memref<1x!tpu.dma_semaphore, #tpu.memory_space<semaphore_mem>>
        %dma_start3A_431 = tpu.memref_squeeze %dma_start3A_430 : memref<1x!tpu.dma_semaphore, #tpu.memory_space<semaphore_mem>> -> memref<!tpu.dma_semaphore, #tpu.memory_space<semaphore_mem>>
        tpu.enqueue_indirect_dma source(%dma_start3A_429 : memref<10000x128xf32, #tpu.memory_space<vmem_shared>>) target(%dma_start3A_424 : memref<64x128xf32, #tpu.memory_space<vmem>>) offsets(%dma_start3A_426 : memref<64xi32, #tpu.memory_space<vmem>>) semaphore(%dma_start3A_431 : memref<!tpu.dma_semaphore, #tpu.memory_space<semaphore_mem>>) {add = true}
        %dma_start3A_432 = arith.constant 0 : i32
        %dma_start3A_433 = arith.constant 64 : i32
        %dma_start3A_434 = arith.constant 0 : i32
        %dma_start3A_435 = tpu.memref_slice %arg11[%dma_start3A_433, %dma_start3A_434] : memref<256x128xf32, #tpu.memory_space<vmem>> -> memref<64x128xf32, #tpu.memory_space<vmem>>
        %dma_start3A_436 = arith.constant 64 : i32
        %dma_start3A_437 = tpu.memref_slice %arg8[%dma_start3A_436] : memref<256xi32, #tpu.memory_space<vmem>> -> memref<64xi32, #tpu.memory_space<vmem>>
        %dma_start3A_438 = arith.constant 0 : i32
        %dma_start3A_439 = arith.constant 0 : i32
        %dma_start3A_440 = tpu.memref_slice %arg14[%dma_start3A_438, %dma_start3A_439] : memref<10000x128xf32, #tpu.memory_space<vmem_shared>> -> memref<10000x128xf32, #tpu.memory_space<vmem_shared>>
        %dma_start3A_441 = tpu.memref_slice %arg16[%dma_start3A_432] : memref<2x!tpu.dma_semaphore, #tpu.memory_space<semaphore_mem>> -> memref<1x!tpu.dma_semaphore, #tpu.memory_space<semaphore_mem>>
        %dma_start3A_442 = tpu.memref_squeeze %dma_start3A_441 : memref<1x!tpu.dma_semaphore, #tpu.memory_space<semaphore_mem>> -> memref<!tpu.dma_semaphore, #tpu.memory_space<semaphore_mem>>
        tpu.enqueue_indirect_dma source(%dma_start3A_440 : memref<10000x128xf32, #tpu.memory_space<vmem_shared>>) target(%dma_start3A_435 : memref<64x128xf32, #tpu.memory_space<vmem>>) offsets(%dma_start3A_437 : memref<64xi32, #tpu.memory_space<vmem>>) semaphore(%dma_start3A_442 : memref<!tpu.dma_semaphore, #tpu.memory_space<semaphore_mem>>) {add = true}
        %dma_start3A_443 = arith.constant 0 : i32
        %dma_start3A_444 = arith.constant 64 : i32
        %dma_start3A_445 = arith.constant 0 : i32
        %dma_start3A_446 = tpu.memref_slice %arg11[%dma_start3A_444, %dma_start3A_445] : memref<256x128xf32, #tpu.memory_space<vmem>> -> memref<64x128xf32, #tpu.memory_space<vmem>>
        %dma_start3A_447 = arith.constant 64 : i32
        %dma_start3A_448 = tpu.memref_slice %arg9[%dma_start3A_447] : memref<256xi32, #tpu.memory_space<vmem>> -> memref<64xi32, #tpu.memory_space<vmem>>
        %dma_start3A_449 = arith.constant 0 : i32
        %dma_start3A_450 = arith.constant 0 : i32
        %dma_start3A_451 = tpu.memref_slice %arg14[%dma_start3A_449, %dma_start3A_450] : memref<10000x128xf32, #tpu.memory_space<vmem_shared>> -> memref<10000x128xf32, #tpu.memory_space<vmem_shared>>
        %dma_start3A_452 = tpu.memref_slice %arg16[%dma_start3A_443] : memref<2x!tpu.dma_semaphore, #tpu.memory_space<semaphore_mem>> -> memref<1x!tpu.dma_semaphore, #tpu.memory_space<semaphore_mem>>
        %dma_start3A_453 = tpu.memref_squeeze %dma_start3A_452 : memref<1x!tpu.dma_semaphore, #tpu.memory_space<semaphore_mem>> -> memref<!tpu.dma_semaphore, #tpu.memory_space<semaphore_mem>>
        tpu.enqueue_indirect_dma source(%dma_start3A_451 : memref<10000x128xf32, #tpu.memory_space<vmem_shared>>) target(%dma_start3A_446 : memref<64x128xf32, #tpu.memory_space<vmem>>) offsets(%dma_start3A_448 : memref<64xi32, #tpu.memory_space<vmem>>) semaphore(%dma_start3A_453 : memref<!tpu.dma_semaphore, #tpu.memory_space<semaphore_mem>>) {add = true}
      } else {
      }
      %add3A_141 = arith.constant 1 : i32
      %add3A_142 = arith.addi %mul3A_131, %add3A_141 : i32
      %mul3A_143 = arith.constant 32 : i32
      %mul3A_144 = arith.muli %mul3A_143, %add3A_142 : i32
      %add3A_145 = arith.addi %add3A, %mul3A_144 : i32
      %lt3A_146 = arith.constant 2500 : i32
      %lt3A_147 = arith.cmpi slt, %add3A_145, %lt3A_146 : i32
      %convert_element_type3A_148 = arith.extui %lt3A_147 : i1 to i32
      %cond3A_149 = arith.constant 0 : i32
      %cond3A_150 = arith.cmpi ne, %convert_element_type3A_148, %cond3A_149 : i32
      scf.if %cond3A_150 {
        %dma_wait3A_195 = arith.constant 0 : i32
        %dma_wait3A_196 = arith.constant 1 : i32
        %dma_wait3A_197 = arith.constant 4 : i32
        %dma_wait3A_198 = arith.constant 0 : i32
        %dma_wait3A_199 = tpu.memref_slice %arg7[%dma_wait3A_197, %dma_wait3A_198] : memref<8x128xi32, #tpu.memory_space<vmem>> -> memref<4x128xi32, #tpu.memory_space<vmem>>
        %dma_wait3A_200 = arith.constant 0 : i32
        %dma_wait3A_201 = arith.constant 0 : i32
        %dma_wait3A_202 = tpu.memref_slice %arg2[%dma_wait3A_195, %dma_wait3A_200, %dma_wait3A_201] : memref<2500x4x128xi32, #tpu.memory_space<hbm>> -> memref<1x4x128xi32, #tpu.memory_space<hbm>>
        %dma_wait3A_203 = tpu.memref_squeeze %dma_wait3A_202 : memref<1x4x128xi32, #tpu.memory_space<hbm>> -> memref<4x128xi32, #tpu.memory_space<hbm>>
        %dma_wait3A_204 = tpu.memref_slice %arg15[%dma_wait3A_196] : memref<2x!tpu.dma_semaphore, #tpu.memory_space<semaphore_mem>> -> memref<1x!tpu.dma_semaphore, #tpu.memory_space<semaphore_mem>>
        %dma_wait3A_205 = tpu.memref_squeeze %dma_wait3A_204 : memref<1x!tpu.dma_semaphore, #tpu.memory_space<semaphore_mem>> -> memref<!tpu.dma_semaphore, #tpu.memory_space<semaphore_mem>>
        %dma_wait3A_206 = arith.constant 4 : i32
        %dma_wait3A_207 = arith.constant 0 : i32
        %dma_wait3A_208 = tpu.memref_slice %arg7[%dma_wait3A_206, %dma_wait3A_207] : memref<8x128xi32, #tpu.memory_space<vmem>> -> memref<4x128xi32, #tpu.memory_space<vmem>>
        %dma_wait3A_209 = arith.constant 0 : i32
        %dma_wait3A_210 = arith.constant 0 : i32
        %dma_wait3A_211 = tpu.memref_slice %arg2[%dma_wait3A_195, %dma_wait3A_209, %dma_wait3A_210] : memref<2500x4x128xi32, #tpu.memory_space<hbm>> -> memref<1x4x128xi32, #tpu.memory_space<hbm>>
        %dma_wait3A_212 = tpu.memref_squeeze %dma_wait3A_211 : memref<1x4x128xi32, #tpu.memory_space<hbm>> -> memref<4x128xi32, #tpu.memory_space<hbm>>
        tpu.wait_dma2 semaphore(%dma_wait3A_205 : memref<!tpu.dma_semaphore, #tpu.memory_space<semaphore_mem>>) src(%dma_wait3A_212 : memref<4x128xi32, #tpu.memory_space<hbm>>) dst(%dma_wait3A_208 : memref<4x128xi32, #tpu.memory_space<vmem>>)
        %get3A_213 = arith.constant 4 : i32
        %get3A_214 = arith.index_cast %get3A_213 : i32 to index
        %get3A_215 = arith.constant 0 : index
        %get3A_216 = tpu.vector_load %arg7[%get3A_214, %get3A_215] {strides = array<i32>} : memref<8x128xi32, #tpu.memory_space<vmem>>, vector<16xi32>,
        %swap3A = arith.constant 128 : index
        %swap3A_217 = tpu.vector_load %arg8[%swap3A] {strides = array<i32>} : memref<256xi32, #tpu.memory_space<vmem>>, vector<16xi32>,
        tpu.vector_store %arg8[%swap3A], %get3A_216 {strides = array<i32>} : memref<256xi32, #tpu.memory_space<vmem>>, vector<16xi32>,
        %get3A_218 = arith.constant 5 : i32
        %get3A_219 = arith.index_cast %get3A_218 : i32 to index
        %get3A_220 = arith.constant 0 : index
        %get3A_221 = tpu.vector_load %arg7[%get3A_219, %get3A_220] {strides = array<i32>} : memref<8x128xi32, #tpu.memory_space<vmem>>, vector<16xi32>,
        %swap3A_222 = arith.constant 128 : index
        %swap3A_223 = tpu.vector_load %arg9[%swap3A_222] {strides = array<i32>} : memref<256xi32, #tpu.memory_space<vmem>>, vector<16xi32>,
        tpu.vector_store %arg9[%swap3A_222], %get3A_221 {strides = array<i32>} : memref<256xi32, #tpu.memory_space<vmem>>, vector<16xi32>,
        %get3A_224 = arith.constant 6 : i32
        %get3A_225 = arith.index_cast %get3A_224 : i32 to index
        %get3A_226 = arith.constant 0 : index
        %get3A_227 = tpu.vector_load %arg7[%get3A_225, %get3A_226] {strides = array<i32>} : memref<8x128xi32, #tpu.memory_space<vmem>>, vector<16xi32>,
        %get3A_228 = arith.constant 7 : i32
        %get3A_229 = arith.index_cast %get3A_228 : i32 to index
        %get3A_230 = arith.constant 0 : index
        %get3A_231 = tpu.vector_load %arg7[%get3A_229, %get3A_230] {strides = array<i32>} : memref<8x128xi32, #tpu.memory_space<vmem>>, vector<16xi32>,
        %add3A_232 = arith.addi %get3A_227, %get3A_231 : vector<16xi32>
        %convert_element_type3A_233 = arith.sitofp %add3A_232 : vector<16xi32> to vector<16xf32>
        %swap3A_234 = arith.constant 128 : index
        %swap3A_235 = tpu.vector_load %arg10[%swap3A_234] {strides = array<i32>} : memref<256xf32, #tpu.memory_space<vmem>>, vector<16xf32>,
        tpu.vector_store %arg10[%swap3A_234], %convert_element_type3A_233 {strides = array<i32>} : memref<256xf32, #tpu.memory_space<vmem>>, vector<16xf32>,
        %get3A_236 = arith.constant 4 : i32
        %get3A_237 = arith.index_cast %get3A_236 : i32 to index
        %get3A_238 = arith.constant 16 : index
        %get3A_239 = tpu.vector_load %arg7[%get3A_237, %get3A_238] {strides = array<i32>} : memref<8x128xi32, #tpu.memory_space<vmem>>, vector<16xi32>,
        %swap3A_240 = arith.constant 144 : index
        %swap3A_241 = tpu.vector_load %arg8[%swap3A_240] {strides = array<i32>} : memref<256xi32, #tpu.memory_space<vmem>>, vector<16xi32>,
        tpu.vector_store %arg8[%swap3A_240], %get3A_239 {strides = array<i32>} : memref<256xi32, #tpu.memory_space<vmem>>, vector<16xi32>,
        %get3A_242 = arith.constant 5 : i32
        %get3A_243 = arith.index_cast %get3A_242 : i32 to index
        %get3A_244 = arith.constant 16 : index
        %get3A_245 = tpu.vector_load %arg7[%get3A_243, %get3A_244] {strides = array<i32>} : memref<8x128xi32, #tpu.memory_space<vmem>>, vector<16xi32>,
        %swap3A_246 = arith.constant 144 : index
        %swap3A_247 = tpu.vector_load %arg9[%swap3A_246] {strides = array<i32>} : memref<256xi32, #tpu.memory_space<vmem>>, vector<16xi32>,
        tpu.vector_store %arg9[%swap3A_246], %get3A_245 {strides = array<i32>} : memref<256xi32, #tpu.memory_space<vmem>>, vector<16xi32>,
        %get3A_248 = arith.constant 6 : i32
        %get3A_249 = arith.index_cast %get3A_248 : i32 to index
        %get3A_250 = arith.constant 16 : index
        %get3A_251 = tpu.vector_load %arg7[%get3A_249, %get3A_250] {strides = array<i32>} : memref<8x128xi32, #tpu.memory_space<vmem>>, vector<16xi32>,
        %get3A_252 = arith.constant 7 : i32
        %get3A_253 = arith.index_cast %get3A_252 : i32 to index
        %get3A_254 = arith.constant 16 : index
        %get3A_255 = tpu.vector_load %arg7[%get3A_253, %get3A_254] {strides = array<i32>} : memref<8x128xi32, #tpu.memory_space<vmem>>, vector<16xi32>,
        %add3A_256 = arith.addi %get3A_251, %get3A_255 : vector<16xi32>
        %convert_element_type3A_257 = arith.sitofp %add3A_256 : vector<16xi32> to vector<16xf32>
        %swap3A_258 = arith.constant 144 : index
        %swap3A_259 = tpu.vector_load %arg10[%swap3A_258] {strides = array<i32>} : memref<256xf32, #tpu.memory_space<vmem>>, vector<16xf32>,
        tpu.vector_store %arg10[%swap3A_258], %convert_element_type3A_257 {strides = array<i32>} : memref<256xf32, #tpu.memory_space<vmem>>, vector<16xf32>,
        %get3A_260 = arith.constant 4 : i32
        %get3A_261 = arith.index_cast %get3A_260 : i32 to index
        %get3A_262 = arith.constant 32 : index
        %get3A_263 = tpu.vector_load %arg7[%get3A_261, %get3A_262] {strides = array<i32>} : memref<8x128xi32, #tpu.memory_space<vmem>>, vector<16xi32>,
        %swap3A_264 = arith.constant 160 : index
        %swap3A_265 = tpu.vector_load %arg8[%swap3A_264] {strides = array<i32>} : memref<256xi32, #tpu.memory_space<vmem>>, vector<16xi32>,
        tpu.vector_store %arg8[%swap3A_264], %get3A_263 {strides = array<i32>} : memref<256xi32, #tpu.memory_space<vmem>>, vector<16xi32>,
        %get3A_266 = arith.constant 5 : i32
        %get3A_267 = arith.index_cast %get3A_266 : i32 to index
        %get3A_268 = arith.constant 32 : index
        %get3A_269 = tpu.vector_load %arg7[%get3A_267, %get3A_268] {strides = array<i32>} : memref<8x128xi32, #tpu.memory_space<vmem>>, vector<16xi32>,
        %swap3A_270 = arith.constant 160 : index
        %swap3A_271 = tpu.vector_load %arg9[%swap3A_270] {strides = array<i32>} : memref<256xi32, #tpu.memory_space<vmem>>, vector<16xi32>,
        tpu.vector_store %arg9[%swap3A_270], %get3A_269 {strides = array<i32>} : memref<256xi32, #tpu.memory_space<vmem>>, vector<16xi32>,
        %get3A_272 = arith.constant 6 : i32
        %get3A_273 = arith.index_cast %get3A_272 : i32 to index
        %get3A_274 = arith.constant 32 : index
        %get3A_275 = tpu.vector_load %arg7[%get3A_273, %get3A_274] {strides = array<i32>} : memref<8x128xi32, #tpu.memory_space<vmem>>, vector<16xi32>,
        %get3A_276 = arith.constant 7 : i32
        %get3A_277 = arith.index_cast %get3A_276 : i32 to index
        %get3A_278 = arith.constant 32 : index
        %get3A_279 = tpu.vector_load %arg7[%get3A_277, %get3A_278] {strides = array<i32>} : memref<8x128xi32, #tpu.memory_space<vmem>>, vector<16xi32>,
        %add3A_280 = arith.addi %get3A_275, %get3A_279 : vector<16xi32>
        %convert_element_type3A_281 = arith.sitofp %add3A_280 : vector<16xi32> to vector<16xf32>
        %swap3A_282 = arith.constant 160 : index
        %swap3A_283 = tpu.vector_load %arg10[%swap3A_282] {strides = array<i32>} : memref<256xf32, #tpu.memory_space<vmem>>, vector<16xf32>,
        tpu.vector_store %arg10[%swap3A_282], %convert_element_type3A_281 {strides = array<i32>} : memref<256xf32, #tpu.memory_space<vmem>>, vector<16xf32>,
        %get3A_284 = arith.constant 4 : i32
        %get3A_285 = arith.index_cast %get3A_284 : i32 to index
        %get3A_286 = arith.constant 48 : index
        %get3A_287 = tpu.vector_load %arg7[%get3A_285, %get3A_286] {strides = array<i32>} : memref<8x128xi32, #tpu.memory_space<vmem>>, vector<16xi32>,
        %swap3A_288 = arith.constant 176 : index
        %swap3A_289 = tpu.vector_load %arg8[%swap3A_288] {strides = array<i32>} : memref<256xi32, #tpu.memory_space<vmem>>, vector<16xi32>,
        tpu.vector_store %arg8[%swap3A_288], %get3A_287 {strides = array<i32>} : memref<256xi32, #tpu.memory_space<vmem>>, vector<16xi32>,
        %get3A_290 = arith.constant 5 : i32
        %get3A_291 = arith.index_cast %get3A_290 : i32 to index
        %get3A_292 = arith.constant 48 : index
        %get3A_293 = tpu.vector_load %arg7[%get3A_291, %get3A_292] {strides = array<i32>} : memref<8x128xi32, #tpu.memory_space<vmem>>, vector<16xi32>,
        %swap3A_294 = arith.constant 176 : index
        %swap3A_295 = tpu.vector_load %arg9[%swap3A_294] {strides = array<i32>} : memref<256xi32, #tpu.memory_space<vmem>>, vector<16xi32>,
        tpu.vector_store %arg9[%swap3A_294], %get3A_293 {strides = array<i32>} : memref<256xi32, #tpu.memory_space<vmem>>, vector<16xi32>,
        %get3A_296 = arith.constant 6 : i32
        %get3A_297 = arith.index_cast %get3A_296 : i32 to index
        %get3A_298 = arith.constant 48 : index
        %get3A_299 = tpu.vector_load %arg7[%get3A_297, %get3A_298] {strides = array<i32>} : memref<8x128xi32, #tpu.memory_space<vmem>>, vector<16xi32>,
        %get3A_300 = arith.constant 7 : i32
        %get3A_301 = arith.index_cast %get3A_300 : i32 to index
        %get3A_302 = arith.constant 48 : index
        %get3A_303 = tpu.vector_load %arg7[%get3A_301, %get3A_302] {strides = array<i32>} : memref<8x128xi32, #tpu.memory_space<vmem>>, vector<16xi32>,
        %add3A_304 = arith.addi %get3A_299, %get3A_303 : vector<16xi32>
        %convert_element_type3A_305 = arith.sitofp %add3A_304 : vector<16xi32> to vector<16xf32>
        %swap3A_306 = arith.constant 176 : index
        %swap3A_307 = tpu.vector_load %arg10[%swap3A_306] {strides = array<i32>} : memref<256xf32, #tpu.memory_space<vmem>>, vector<16xf32>,
        tpu.vector_store %arg10[%swap3A_306], %convert_element_type3A_305 {strides = array<i32>} : memref<256xf32, #tpu.memory_space<vmem>>, vector<16xf32>,
        %get3A_308 = arith.constant 4 : i32
        %get3A_309 = arith.index_cast %get3A_308 : i32 to index
        %get3A_310 = arith.constant 64 : index
        %get3A_311 = tpu.vector_load %arg7[%get3A_309, %get3A_310] {strides = array<i32>} : memref<8x128xi32, #tpu.memory_space<vmem>>, vector<16xi32>,
        %swap3A_312 = arith.constant 192 : index
        %swap3A_313 = tpu.vector_load %arg8[%swap3A_312] {strides = array<i32>} : memref<256xi32, #tpu.memory_space<vmem>>, vector<16xi32>,
        tpu.vector_store %arg8[%swap3A_312], %get3A_311 {strides = array<i32>} : memref<256xi32, #tpu.memory_space<vmem>>, vector<16xi32>,
        %get3A_314 = arith.constant 5 : i32
        %get3A_315 = arith.index_cast %get3A_314 : i32 to index
        %get3A_316 = arith.constant 64 : index
        %get3A_317 = tpu.vector_load %arg7[%get3A_315, %get3A_316] {strides = array<i32>} : memref<8x128xi32, #tpu.memory_space<vmem>>, vector<16xi32>,
        %swap3A_318 = arith.constant 192 : index
        %swap3A_319 = tpu.vector_load %arg9[%swap3A_318] {strides = array<i32>} : memref<256xi32, #tpu.memory_space<vmem>>, vector<16xi32>,
        tpu.vector_store %arg9[%swap3A_318], %get3A_317 {strides = array<i32>} : memref<256xi32, #tpu.memory_space<vmem>>, vector<16xi32>,
        %get3A_320 = arith.constant 6 : i32
        %get3A_321 = arith.index_cast %get3A_320 : i32 to index
        %get3A_322 = arith.constant 64 : index
        %get3A_323 = tpu.vector_load %arg7[%get3A_321, %get3A_322] {strides = array<i32>} : memref<8x128xi32, #tpu.memory_space<vmem>>, vector<16xi32>,
        %get3A_324 = arith.constant 7 : i32
        %get3A_325 = arith.index_cast %get3A_324 : i32 to index
        %get3A_326 = arith.constant 64 : index
        %get3A_327 = tpu.vector_load %arg7[%get3A_325, %get3A_326] {strides = array<i32>} : memref<8x128xi32, #tpu.memory_space<vmem>>, vector<16xi32>,
        %add3A_328 = arith.addi %get3A_323, %get3A_327 : vector<16xi32>
        %convert_element_type3A_329 = arith.sitofp %add3A_328 : vector<16xi32> to vector<16xf32>
        %swap3A_330 = arith.constant 192 : index
        %swap3A_331 = tpu.vector_load %arg10[%swap3A_330] {strides = array<i32>} : memref<256xf32, #tpu.memory_space<vmem>>, vector<16xf32>,
        tpu.vector_store %arg10[%swap3A_330], %convert_element_type3A_329 {strides = array<i32>} : memref<256xf32, #tpu.memory_space<vmem>>, vector<16xf32>,
        %get3A_332 = arith.constant 4 : i32
        %get3A_333 = arith.index_cast %get3A_332 : i32 to index
        %get3A_334 = arith.constant 80 : index
        %get3A_335 = tpu.vector_load %arg7[%get3A_333, %get3A_334] {strides = array<i32>} : memref<8x128xi32, #tpu.memory_space<vmem>>, vector<16xi32>,
        %swap3A_336 = arith.constant 208 : index
        %swap3A_337 = tpu.vector_load %arg8[%swap3A_336] {strides = array<i32>} : memref<256xi32, #tpu.memory_space<vmem>>, vector<16xi32>,
        tpu.vector_store %arg8[%swap3A_336], %get3A_335 {strides = array<i32>} : memref<256xi32, #tpu.memory_space<vmem>>, vector<16xi32>,
        %get3A_338 = arith.constant 5 : i32
        %get3A_339 = arith.index_cast %get3A_338 : i32 to index
        %get3A_340 = arith.constant 80 : index
        %get3A_341 = tpu.vector_load %arg7[%get3A_339, %get3A_340] {strides = array<i32>} : memref<8x128xi32, #tpu.memory_space<vmem>>, vector<16xi32>,
        %swap3A_342 = arith.constant 208 : index
        %swap3A_343 = tpu.vector_load %arg9[%swap3A_342] {strides = array<i32>} : memref<256xi32, #tpu.memory_space<vmem>>, vector<16xi32>,
        tpu.vector_store %arg9[%swap3A_342], %get3A_341 {strides = array<i32>} : memref<256xi32, #tpu.memory_space<vmem>>, vector<16xi32>,
        %get3A_344 = arith.constant 6 : i32
        %get3A_345 = arith.index_cast %get3A_344 : i32 to index
        %get3A_346 = arith.constant 80 : index
        %get3A_347 = tpu.vector_load %arg7[%get3A_345, %get3A_346] {strides = array<i32>} : memref<8x128xi32, #tpu.memory_space<vmem>>, vector<16xi32>,
        %get3A_348 = arith.constant 7 : i32
        %get3A_349 = arith.index_cast %get3A_348 : i32 to index
        %get3A_350 = arith.constant 80 : index
        %get3A_351 = tpu.vector_load %arg7[%get3A_349, %get3A_350] {strides = array<i32>} : memref<8x128xi32, #tpu.memory_space<vmem>>, vector<16xi32>,
        %add3A_352 = arith.addi %get3A_347, %get3A_351 : vector<16xi32>
        %convert_element_type3A_353 = arith.sitofp %add3A_352 : vector<16xi32> to vector<16xf32>
        %swap3A_354 = arith.constant 208 : index
        %swap3A_355 = tpu.vector_load %arg10[%swap3A_354] {strides = array<i32>} : memref<256xf32, #tpu.memory_space<vmem>>, vector<16xf32>,
        tpu.vector_store %arg10[%swap3A_354], %convert_element_type3A_353 {strides = array<i32>} : memref<256xf32, #tpu.memory_space<vmem>>, vector<16xf32>,
        %get3A_356 = arith.constant 4 : i32
        %get3A_357 = arith.index_cast %get3A_356 : i32 to index
        %get3A_358 = arith.constant 96 : index
        %get3A_359 = tpu.vector_load %arg7[%get3A_357, %get3A_358] {strides = array<i32>} : memref<8x128xi32, #tpu.memory_space<vmem>>, vector<16xi32>,
        %swap3A_360 = arith.constant 224 : index
        %swap3A_361 = tpu.vector_load %arg8[%swap3A_360] {strides = array<i32>} : memref<256xi32, #tpu.memory_space<vmem>>, vector<16xi32>,
        tpu.vector_store %arg8[%swap3A_360], %get3A_359 {strides = array<i32>} : memref<256xi32, #tpu.memory_space<vmem>>, vector<16xi32>,
        %get3A_362 = arith.constant 5 : i32
        %get3A_363 = arith.index_cast %get3A_362 : i32 to index
        %get3A_364 = arith.constant 96 : index
        %get3A_365 = tpu.vector_load %arg7[%get3A_363, %get3A_364] {strides = array<i32>} : memref<8x128xi32, #tpu.memory_space<vmem>>, vector<16xi32>,
        %swap3A_366 = arith.constant 224 : index
        %swap3A_367 = tpu.vector_load %arg9[%swap3A_366] {strides = array<i32>} : memref<256xi32, #tpu.memory_space<vmem>>, vector<16xi32>,
        tpu.vector_store %arg9[%swap3A_366], %get3A_365 {strides = array<i32>} : memref<256xi32, #tpu.memory_space<vmem>>, vector<16xi32>,
        %get3A_368 = arith.constant 6 : i32
        %get3A_369 = arith.index_cast %get3A_368 : i32 to index
        %get3A_370 = arith.constant 96 : index
        %get3A_371 = tpu.vector_load %arg7[%get3A_369, %get3A_370] {strides = array<i32>} : memref<8x128xi32, #tpu.memory_space<vmem>>, vector<16xi32>,
        %get3A_372 = arith.constant 7 : i32
        %get3A_373 = arith.index_cast %get3A_372 : i32 to index
        %get3A_374 = arith.constant 96 : index
        %get3A_375 = tpu.vector_load %arg7[%get3A_373, %get3A_374] {strides = array<i32>} : memref<8x128xi32, #tpu.memory_space<vmem>>, vector<16xi32>,
        %add3A_376 = arith.addi %get3A_371, %get3A_375 : vector<16xi32>
        %convert_element_type3A_377 = arith.sitofp %add3A_376 : vector<16xi32> to vector<16xf32>
        %swap3A_378 = arith.constant 224 : index
        %swap3A_379 = tpu.vector_load %arg10[%swap3A_378] {strides = array<i32>} : memref<256xf32, #tpu.memory_space<vmem>>, vector<16xf32>,
        tpu.vector_store %arg10[%swap3A_378], %convert_element_type3A_377 {strides = array<i32>} : memref<256xf32, #tpu.memory_space<vmem>>, vector<16xf32>,
        %get3A_380 = arith.constant 4 : i32
        %get3A_381 = arith.index_cast %get3A_380 : i32 to index
        %get3A_382 = arith.constant 112 : index
        %get3A_383 = tpu.vector_load %arg7[%get3A_381, %get3A_382] {strides = array<i32>} : memref<8x128xi32, #tpu.memory_space<vmem>>, vector<16xi32>,
        %swap3A_384 = arith.constant 240 : index
        %swap3A_385 = tpu.vector_load %arg8[%swap3A_384] {strides = array<i32>} : memref<256xi32, #tpu.memory_space<vmem>>, vector<16xi32>,
        tpu.vector_store %arg8[%swap3A_384], %get3A_383 {strides = array<i32>} : memref<256xi32, #tpu.memory_space<vmem>>, vector<16xi32>,
        %get3A_386 = arith.constant 5 : i32
        %get3A_387 = arith.index_cast %get3A_386 : i32 to index
        %get3A_388 = arith.constant 112 : index
        %get3A_389 = tpu.vector_load %arg7[%get3A_387, %get3A_388] {strides = array<i32>} : memref<8x128xi32, #tpu.memory_space<vmem>>, vector<16xi32>,
        %swap3A_390 = arith.constant 240 : index
        %swap3A_391 = tpu.vector_load %arg9[%swap3A_390] {strides = array<i32>} : memref<256xi32, #tpu.memory_space<vmem>>, vector<16xi32>,
        tpu.vector_store %arg9[%swap3A_390], %get3A_389 {strides = array<i32>} : memref<256xi32, #tpu.memory_space<vmem>>, vector<16xi32>,
        %get3A_392 = arith.constant 6 : i32
        %get3A_393 = arith.index_cast %get3A_392 : i32 to index
        %get3A_394 = arith.constant 112 : index
        %get3A_395 = tpu.vector_load %arg7[%get3A_393, %get3A_394] {strides = array<i32>} : memref<8x128xi32, #tpu.memory_space<vmem>>, vector<16xi32>,
        %get3A_396 = arith.constant 7 : i32
        %get3A_397 = arith.index_cast %get3A_396 : i32 to index
        %get3A_398 = arith.constant 112 : index
        %get3A_399 = tpu.vector_load %arg7[%get3A_397, %get3A_398] {strides = array<i32>} : memref<8x128xi32, #tpu.memory_space<vmem>>, vector<16xi32>,
        %add3A_400 = arith.addi %get3A_395, %get3A_399 : vector<16xi32>
        %convert_element_type3A_401 = arith.sitofp %add3A_400 : vector<16xi32> to vector<16xf32>
        %swap3A_402 = arith.constant 240 : index
        %swap3A_403 = tpu.vector_load %arg10[%swap3A_402] {strides = array<i32>} : memref<256xf32, #tpu.memory_space<vmem>>, vector<16xf32>,
        tpu.vector_store %arg10[%swap3A_402], %convert_element_type3A_401 {strides = array<i32>} : memref<256xf32, #tpu.memory_space<vmem>>, vector<16xf32>,
        %gt3A = arith.constant 0 : i32
        %gt3A_404 = arith.cmpi sgt, %scan3A_129, %gt3A : i32
        %convert_element_type3A_405 = arith.extui %gt3A_404 : i1 to i32
        %cond3A_406 = arith.constant 0 : i32
        %cond3A_407 = arith.cmpi ne, %convert_element_type3A_405, %cond3A_406 : i32
        scf.if %cond3A_407 {
          %dma_wait3A_454 = arith.constant 1 : i32
          %dma_wait3A_455 = arith.constant 128 : i32
          %dma_wait3A_456 = arith.constant 0 : i32
          %dma_wait3A_457 = tpu.memref_slice %arg11[%dma_wait3A_455, %dma_wait3A_456] : memref<256x128xf32, #tpu.memory_space<vmem>> -> memref<128x128xf32, #tpu.memory_space<vmem>>
          %dma_wait3A_458 = arith.constant 0 : i32
          %dma_wait3A_459 = arith.constant 0 : i32
          %dma_wait3A_460 = tpu.memref_slice %arg6[%dma_wait3A_458, %dma_wait3A_459] : memref<320000x128xf32, #tpu.memory_space<hbm>> -> memref<128x128xf32, #tpu.memory_space<hbm>>
          %dma_wait3A_461 = tpu.memref_slice %arg17[%dma_wait3A_454] : memref<2x!tpu.dma_semaphore, #tpu.memory_space<semaphore_mem>> -> memref<1x!tpu.dma_semaphore, #tpu.memory_space<semaphore_mem>>
          %dma_wait3A_462 = tpu.memref_squeeze %dma_wait3A_461 : memref<1x!tpu.dma_semaphore, #tpu.memory_space<semaphore_mem>> -> memref<!tpu.dma_semaphore, #tpu.memory_space<semaphore_mem>>
          %dma_wait3A_463 = arith.constant 128 : i32
          %dma_wait3A_464 = arith.constant 0 : i32
          %dma_wait3A_465 = tpu.memref_slice %arg11[%dma_wait3A_463, %dma_wait3A_464] : memref<256x128xf32, #tpu.memory_space<vmem>> -> memref<128x128xf32, #tpu.memory_space<vmem>>
          %dma_wait3A_466 = arith.constant 0 : i32
          %dma_wait3A_467 = arith.constant 0 : i32
          %dma_wait3A_468 = tpu.memref_slice %arg6[%dma_wait3A_466, %dma_wait3A_467] : memref<320000x128xf32, #tpu.memory_space<hbm>> -> memref<128x128xf32, #tpu.memory_space<hbm>>
          tpu.wait_dma2 semaphore(%dma_wait3A_462 : memref<!tpu.dma_semaphore, #tpu.memory_space<semaphore_mem>>) src(%dma_wait3A_468 : memref<128x128xf32, #tpu.memory_space<hbm>>) dst(%dma_wait3A_465 : memref<128x128xf32, #tpu.memory_space<vmem>>)
        } else {
        }
        %parallel_loop3A = arith.constant 0 : i32
        %parallel_loop3A_408 = arith.constant 128 : i32
        %parallel_loop3A_409 = arith.constant 1 : i32
        scf.for %parallel_loop3A_454 = %parallel_loop3A to %parallel_loop3A_408 step %parallel_loop3A_409  : i32 {
          %parallel_loop3A_455 = vector.broadcast %parallel_loop3A_454 : i32 to vector<16xi32>
          %parallel_loop3A_456 = arith.constant 128 : i32
          %parallel_loop3A_457 = tpu.memref_slice %arg10[%parallel_loop3A_456] : memref<256xf32, #tpu.memory_space<vmem>> -> memref<128xf32, #tpu.memory_space<vmem>>
          %parallel_loop3A_458 = tpu.vector_load_idx %parallel_loop3A_457[%parallel_loop3A_455] : memref<128xf32, #tpu.memory_space<vmem>>[vector<16xi32>], vector<16xf32>,
          %parallel_loop3A_459 = arith.mulf %parallel_loop3A_458, %get3A_3 : vector<16xf32>
          %parallel_loop3A_460 = arith.addf %parallel_loop3A_459, %mul3A_22 : vector<16xf32>
          %parallel_loop3A_461 = arith.constant 128 : i32
          %parallel_loop3A_462 = arith.constant 0 : i32
          %parallel_loop3A_463 = tpu.memref_slice %arg11[%parallel_loop3A_461, %parallel_loop3A_462] : memref<256x128xf32, #tpu.memory_space<vmem>> -> memref<128x128xf32, #tpu.memory_space<vmem>>
          %parallel_loop3A_464 = arith.index_cast %parallel_loop3A_454 : i32 to index
          %parallel_loop3A_465 = arith.constant 0 : index
          %parallel_loop3A_466 = tpu.vector_load %parallel_loop3A_463[%parallel_loop3A_464, %parallel_loop3A_465] {strides = array<i32>} : memref<128x128xf32, #tpu.memory_space<vmem>>, vector<16xf32>,
          tpu.vector_store %parallel_loop3A_463[%parallel_loop3A_464, %parallel_loop3A_465], %parallel_loop3A_460 {strides = array<i32>} : memref<128x128xf32, #tpu.memory_space<vmem>>, vector<16xf32>,
          %parallel_loop3A_467 = arith.mulf %parallel_loop3A_458, %get3A_5 : vector<16xf32>
          %parallel_loop3A_468 = arith.addf %parallel_loop3A_467, %mul3A_27 : vector<16xf32>
          %parallel_loop3A_469 = arith.constant 128 : i32
          %parallel_loop3A_470 = arith.constant 0 : i32
          %parallel_loop3A_471 = tpu.memref_slice %arg11[%parallel_loop3A_469, %parallel_loop3A_470] : memref<256x128xf32, #tpu.memory_space<vmem>> -> memref<128x128xf32, #tpu.memory_space<vmem>>
          %parallel_loop3A_472 = arith.index_cast %parallel_loop3A_454 : i32 to index
          %parallel_loop3A_473 = arith.constant 16 : index
          %parallel_loop3A_474 = tpu.vector_load %parallel_loop3A_471[%parallel_loop3A_472, %parallel_loop3A_473] {strides = array<i32>} : memref<128x128xf32, #tpu.memory_space<vmem>>, vector<16xf32>,
          tpu.vector_store %parallel_loop3A_471[%parallel_loop3A_472, %parallel_loop3A_473], %parallel_loop3A_468 {strides = array<i32>} : memref<128x128xf32, #tpu.memory_space<vmem>>, vector<16xf32>,
          %parallel_loop3A_475 = arith.mulf %parallel_loop3A_458, %get3A_7 : vector<16xf32>
          %parallel_loop3A_476 = arith.addf %parallel_loop3A_475, %mul3A_32 : vector<16xf32>
          %parallel_loop3A_477 = arith.constant 128 : i32
          %parallel_loop3A_478 = arith.constant 0 : i32
          %parallel_loop3A_479 = tpu.memref_slice %arg11[%parallel_loop3A_477, %parallel_loop3A_478] : memref<256x128xf32, #tpu.memory_space<vmem>> -> memref<128x128xf32, #tpu.memory_space<vmem>>
          %parallel_loop3A_480 = arith.index_cast %parallel_loop3A_454 : i32 to index
          %parallel_loop3A_481 = arith.constant 32 : index
          %parallel_loop3A_482 = tpu.vector_load %parallel_loop3A_479[%parallel_loop3A_480, %parallel_loop3A_481] {strides = array<i32>} : memref<128x128xf32, #tpu.memory_space<vmem>>, vector<16xf32>,
          tpu.vector_store %parallel_loop3A_479[%parallel_loop3A_480, %parallel_loop3A_481], %parallel_loop3A_476 {strides = array<i32>} : memref<128x128xf32, #tpu.memory_space<vmem>>, vector<16xf32>,
          %parallel_loop3A_483 = arith.mulf %parallel_loop3A_458, %get3A_9 : vector<16xf32>
          %parallel_loop3A_484 = arith.addf %parallel_loop3A_483, %mul3A_37 : vector<16xf32>
          %parallel_loop3A_485 = arith.constant 128 : i32
          %parallel_loop3A_486 = arith.constant 0 : i32
          %parallel_loop3A_487 = tpu.memref_slice %arg11[%parallel_loop3A_485, %parallel_loop3A_486] : memref<256x128xf32, #tpu.memory_space<vmem>> -> memref<128x128xf32, #tpu.memory_space<vmem>>
          %parallel_loop3A_488 = arith.index_cast %parallel_loop3A_454 : i32 to index
          %parallel_loop3A_489 = arith.constant 48 : index
          %parallel_loop3A_490 = tpu.vector_load %parallel_loop3A_487[%parallel_loop3A_488, %parallel_loop3A_489] {strides = array<i32>} : memref<128x128xf32, #tpu.memory_space<vmem>>, vector<16xf32>,
          tpu.vector_store %parallel_loop3A_487[%parallel_loop3A_488, %parallel_loop3A_489], %parallel_loop3A_484 {strides = array<i32>} : memref<128x128xf32, #tpu.memory_space<vmem>>, vector<16xf32>,
          %parallel_loop3A_491 = arith.mulf %parallel_loop3A_458, %get3A_11 : vector<16xf32>
          %parallel_loop3A_492 = arith.addf %parallel_loop3A_491, %mul3A_42 : vector<16xf32>
          %parallel_loop3A_493 = arith.constant 128 : i32
          %parallel_loop3A_494 = arith.constant 0 : i32
          %parallel_loop3A_495 = tpu.memref_slice %arg11[%parallel_loop3A_493, %parallel_loop3A_494] : memref<256x128xf32, #tpu.memory_space<vmem>> -> memref<128x128xf32, #tpu.memory_space<vmem>>
          %parallel_loop3A_496 = arith.index_cast %parallel_loop3A_454 : i32 to index
          %parallel_loop3A_497 = arith.constant 64 : index
          %parallel_loop3A_498 = tpu.vector_load %parallel_loop3A_495[%parallel_loop3A_496, %parallel_loop3A_497] {strides = array<i32>} : memref<128x128xf32, #tpu.memory_space<vmem>>, vector<16xf32>,
          tpu.vector_store %parallel_loop3A_495[%parallel_loop3A_496, %parallel_loop3A_497], %parallel_loop3A_492 {strides = array<i32>} : memref<128x128xf32, #tpu.memory_space<vmem>>, vector<16xf32>,
          %parallel_loop3A_499 = arith.mulf %parallel_loop3A_458, %get3A_13 : vector<16xf32>
          %parallel_loop3A_500 = arith.addf %parallel_loop3A_499, %mul3A_47 : vector<16xf32>
          %parallel_loop3A_501 = arith.constant 128 : i32
          %parallel_loop3A_502 = arith.constant 0 : i32
          %parallel_loop3A_503 = tpu.memref_slice %arg11[%parallel_loop3A_501, %parallel_loop3A_502] : memref<256x128xf32, #tpu.memory_space<vmem>> -> memref<128x128xf32, #tpu.memory_space<vmem>>
          %parallel_loop3A_504 = arith.index_cast %parallel_loop3A_454 : i32 to index
          %parallel_loop3A_505 = arith.constant 80 : index
          %parallel_loop3A_506 = tpu.vector_load %parallel_loop3A_503[%parallel_loop3A_504, %parallel_loop3A_505] {strides = array<i32>} : memref<128x128xf32, #tpu.memory_space<vmem>>, vector<16xf32>,
          tpu.vector_store %parallel_loop3A_503[%parallel_loop3A_504, %parallel_loop3A_505], %parallel_loop3A_500 {strides = array<i32>} : memref<128x128xf32, #tpu.memory_space<vmem>>, vector<16xf32>,
          %parallel_loop3A_507 = arith.mulf %parallel_loop3A_458, %get3A_15 : vector<16xf32>
          %parallel_loop3A_508 = arith.addf %parallel_loop3A_507, %mul3A_52 : vector<16xf32>
          %parallel_loop3A_509 = arith.constant 128 : i32
          %parallel_loop3A_510 = arith.constant 0 : i32
          %parallel_loop3A_511 = tpu.memref_slice %arg11[%parallel_loop3A_509, %parallel_loop3A_510] : memref<256x128xf32, #tpu.memory_space<vmem>> -> memref<128x128xf32, #tpu.memory_space<vmem>>
          %parallel_loop3A_512 = arith.index_cast %parallel_loop3A_454 : i32 to index
          %parallel_loop3A_513 = arith.constant 96 : index
          %parallel_loop3A_514 = tpu.vector_load %parallel_loop3A_511[%parallel_loop3A_512, %parallel_loop3A_513] {strides = array<i32>} : memref<128x128xf32, #tpu.memory_space<vmem>>, vector<16xf32>,
          tpu.vector_store %parallel_loop3A_511[%parallel_loop3A_512, %parallel_loop3A_513], %parallel_loop3A_508 {strides = array<i32>} : memref<128x128xf32, #tpu.memory_space<vmem>>, vector<16xf32>,
          %parallel_loop3A_515 = arith.mulf %parallel_loop3A_458, %get3A_17 : vector<16xf32>
          %parallel_loop3A_516 = arith.addf %parallel_loop3A_515, %mul3A_57 : vector<16xf32>
          %parallel_loop3A_517 = arith.constant 128 : i32
          %parallel_loop3A_518 = arith.constant 0 : i32
          %parallel_loop3A_519 = tpu.memref_slice %arg11[%parallel_loop3A_517, %parallel_loop3A_518] : memref<256x128xf32, #tpu.memory_space<vmem>> -> memref<128x128xf32, #tpu.memory_space<vmem>>
          %parallel_loop3A_520 = arith.index_cast %parallel_loop3A_454 : i32 to index
          %parallel_loop3A_521 = arith.constant 112 : index
          %parallel_loop3A_522 = tpu.vector_load %parallel_loop3A_519[%parallel_loop3A_520, %parallel_loop3A_521] {strides = array<i32>} : memref<128x128xf32, #tpu.memory_space<vmem>>, vector<16xf32>,
          tpu.vector_store %parallel_loop3A_519[%parallel_loop3A_520, %parallel_loop3A_521], %parallel_loop3A_516 {strides = array<i32>} : memref<128x128xf32, #tpu.memory_space<vmem>>, vector<16xf32>,
        } {sc.loop_unroll_factor = 4 : i64, sc.parallel_access}
        %dma_start3A_410 = arith.constant 1 : i32
        %dma_start3A_411 = arith.constant 128 : i32
        %dma_start3A_412 = arith.constant 0 : i32
        %dma_start3A_413 = tpu.memref_slice %arg11[%dma_start3A_411, %dma_start3A_412] : memref<256x128xf32, #tpu.memory_space<vmem>> -> memref<64x128xf32, #tpu.memory_space<vmem>>
        %dma_start3A_414 = arith.constant 128 : i32
        %dma_start3A_415 = tpu.memref_slice %arg8[%dma_start3A_414] : memref<256xi32, #tpu.memory_space<vmem>> -> memref<64xi32, #tpu.memory_space<vmem>>
        %dma_start3A_416 = arith.constant 0 : i32
        %dma_start3A_417 = arith.constant 0 : i32
        %dma_start3A_418 = tpu.memref_slice %arg14[%dma_start3A_416, %dma_start3A_417] : memref<10000x128xf32, #tpu.memory_space<vmem_shared>> -> memref<10000x128xf32, #tpu.memory_space<vmem_shared>>
        %dma_start3A_419 = tpu.memref_slice %arg16[%dma_start3A_410] : memref<2x!tpu.dma_semaphore, #tpu.memory_space<semaphore_mem>> -> memref<1x!tpu.dma_semaphore, #tpu.memory_space<semaphore_mem>>
        %dma_start3A_420 = tpu.memref_squeeze %dma_start3A_419 : memref<1x!tpu.dma_semaphore, #tpu.memory_space<semaphore_mem>> -> memref<!tpu.dma_semaphore, #tpu.memory_space<semaphore_mem>>
        tpu.enqueue_indirect_dma source(%dma_start3A_418 : memref<10000x128xf32, #tpu.memory_space<vmem_shared>>) target(%dma_start3A_413 : memref<64x128xf32, #tpu.memory_space<vmem>>) offsets(%dma_start3A_415 : memref<64xi32, #tpu.memory_space<vmem>>) semaphore(%dma_start3A_420 : memref<!tpu.dma_semaphore, #tpu.memory_space<semaphore_mem>>) {add = true}
        %dma_start3A_421 = arith.constant 1 : i32
        %dma_start3A_422 = arith.constant 128 : i32
        %dma_start3A_423 = arith.constant 0 : i32
        %dma_start3A_424 = tpu.memref_slice %arg11[%dma_start3A_422, %dma_start3A_423] : memref<256x128xf32, #tpu.memory_space<vmem>> -> memref<64x128xf32, #tpu.memory_space<vmem>>
        %dma_start3A_425 = arith.constant 128 : i32
        %dma_start3A_426 = tpu.memref_slice %arg9[%dma_start3A_425] : memref<256xi32, #tpu.memory_space<vmem>> -> memref<64xi32, #tpu.memory_space<vmem>>
        %dma_start3A_427 = arith.constant 0 : i32
        %dma_start3A_428 = arith.constant 0 : i32
        %dma_start3A_429 = tpu.memref_slice %arg14[%dma_start3A_427, %dma_start3A_428] : memref<10000x128xf32, #tpu.memory_space<vmem_shared>> -> memref<10000x128xf32, #tpu.memory_space<vmem_shared>>
        %dma_start3A_430 = tpu.memref_slice %arg16[%dma_start3A_421] : memref<2x!tpu.dma_semaphore, #tpu.memory_space<semaphore_mem>> -> memref<1x!tpu.dma_semaphore, #tpu.memory_space<semaphore_mem>>
        %dma_start3A_431 = tpu.memref_squeeze %dma_start3A_430 : memref<1x!tpu.dma_semaphore, #tpu.memory_space<semaphore_mem>> -> memref<!tpu.dma_semaphore, #tpu.memory_space<semaphore_mem>>
        tpu.enqueue_indirect_dma source(%dma_start3A_429 : memref<10000x128xf32, #tpu.memory_space<vmem_shared>>) target(%dma_start3A_424 : memref<64x128xf32, #tpu.memory_space<vmem>>) offsets(%dma_start3A_426 : memref<64xi32, #tpu.memory_space<vmem>>) semaphore(%dma_start3A_431 : memref<!tpu.dma_semaphore, #tpu.memory_space<semaphore_mem>>) {add = true}
        %dma_start3A_432 = arith.constant 1 : i32
        %dma_start3A_433 = arith.constant 192 : i32
        %dma_start3A_434 = arith.constant 0 : i32
        %dma_start3A_435 = tpu.memref_slice %arg11[%dma_start3A_433, %dma_start3A_434] : memref<256x128xf32, #tpu.memory_space<vmem>> -> memref<64x128xf32, #tpu.memory_space<vmem>>
        %dma_start3A_436 = arith.constant 192 : i32
        %dma_start3A_437 = tpu.memref_slice %arg8[%dma_start3A_436] : memref<256xi32, #tpu.memory_space<vmem>> -> memref<64xi32, #tpu.memory_space<vmem>>
        %dma_start3A_438 = arith.constant 0 : i32
        %dma_start3A_439 = arith.constant 0 : i32
        %dma_start3A_440 = tpu.memref_slice %arg14[%dma_start3A_438, %dma_start3A_439] : memref<10000x128xf32, #tpu.memory_space<vmem_shared>> -> memref<10000x128xf32, #tpu.memory_space<vmem_shared>>
        %dma_start3A_441 = tpu.memref_slice %arg16[%dma_start3A_432] : memref<2x!tpu.dma_semaphore, #tpu.memory_space<semaphore_mem>> -> memref<1x!tpu.dma_semaphore, #tpu.memory_space<semaphore_mem>>
        %dma_start3A_442 = tpu.memref_squeeze %dma_start3A_441 : memref<1x!tpu.dma_semaphore, #tpu.memory_space<semaphore_mem>> -> memref<!tpu.dma_semaphore, #tpu.memory_space<semaphore_mem>>
        tpu.enqueue_indirect_dma source(%dma_start3A_440 : memref<10000x128xf32, #tpu.memory_space<vmem_shared>>) target(%dma_start3A_435 : memref<64x128xf32, #tpu.memory_space<vmem>>) offsets(%dma_start3A_437 : memref<64xi32, #tpu.memory_space<vmem>>) semaphore(%dma_start3A_442 : memref<!tpu.dma_semaphore, #tpu.memory_space<semaphore_mem>>) {add = true}
        %dma_start3A_443 = arith.constant 1 : i32
        %dma_start3A_444 = arith.constant 192 : i32
        %dma_start3A_445 = arith.constant 0 : i32
        %dma_start3A_446 = tpu.memref_slice %arg11[%dma_start3A_444, %dma_start3A_445] : memref<256x128xf32, #tpu.memory_space<vmem>> -> memref<64x128xf32, #tpu.memory_space<vmem>>
        %dma_start3A_447 = arith.constant 192 : i32
        %dma_start3A_448 = tpu.memref_slice %arg9[%dma_start3A_447] : memref<256xi32, #tpu.memory_space<vmem>> -> memref<64xi32, #tpu.memory_space<vmem>>
        %dma_start3A_449 = arith.constant 0 : i32
        %dma_start3A_450 = arith.constant 0 : i32
        %dma_start3A_451 = tpu.memref_slice %arg14[%dma_start3A_449, %dma_start3A_450] : memref<10000x128xf32, #tpu.memory_space<vmem_shared>> -> memref<10000x128xf32, #tpu.memory_space<vmem_shared>>
        %dma_start3A_452 = tpu.memref_slice %arg16[%dma_start3A_443] : memref<2x!tpu.dma_semaphore, #tpu.memory_space<semaphore_mem>> -> memref<1x!tpu.dma_semaphore, #tpu.memory_space<semaphore_mem>>
        %dma_start3A_453 = tpu.memref_squeeze %dma_start3A_452 : memref<1x!tpu.dma_semaphore, #tpu.memory_space<semaphore_mem>> -> memref<!tpu.dma_semaphore, #tpu.memory_space<semaphore_mem>>
        tpu.enqueue_indirect_dma source(%dma_start3A_451 : memref<10000x128xf32, #tpu.memory_space<vmem_shared>>) target(%dma_start3A_446 : memref<64x128xf32, #tpu.memory_space<vmem>>) offsets(%dma_start3A_448 : memref<64xi32, #tpu.memory_space<vmem>>) semaphore(%dma_start3A_453 : memref<!tpu.dma_semaphore, #tpu.memory_space<semaphore_mem>>) {add = true}
      } else {
      }
      %add3A_151 = arith.constant 2 : i32
      %add3A_152 = arith.addi %mul3A_131, %add3A_151 : i32
      %add3A_153 = arith.constant 0 : i32
      %add3A_154 = arith.addi %add3A_152, %add3A_153 : i32
      %mul3A_155 = arith.constant 32 : i32
      %mul3A_156 = arith.muli %mul3A_155, %add3A_154 : i32
      %add3A_157 = arith.addi %add3A, %mul3A_156 : i32
      %lt3A_158 = arith.constant 2500 : i32
      %lt3A_159 = arith.cmpi slt, %add3A_157, %lt3A_158 : i32
      %convert_element_type3A_160 = arith.extui %lt3A_159 : i1 to i32
      %cond3A_161 = arith.constant 0 : i32
      %cond3A_162 = arith.cmpi ne, %convert_element_type3A_160, %cond3A_161 : i32
      scf.if %cond3A_162 {
        %dma_start3A_195 = arith.constant 0 : i32
        %dma_start3A_196 = arith.constant 0 : i32
        %dma_start3A_197 = arith.constant 0 : i32
        %dma_start3A_198 = tpu.memref_slice %arg7[%dma_start3A_196, %dma_start3A_197] : memref<8x128xi32, #tpu.memory_space<vmem>> -> memref<4x128xi32, #tpu.memory_space<vmem>>
        %dma_start3A_199 = arith.constant 0 : i32
        %dma_start3A_200 = arith.constant 0 : i32
        %dma_start3A_201 = tpu.memref_slice %arg2[%add3A_157, %dma_start3A_199, %dma_start3A_200] : memref<2500x4x128xi32, #tpu.memory_space<hbm>> -> memref<1x4x128xi32, #tpu.memory_space<hbm>>
        %dma_start3A_202 = tpu.memref_squeeze %dma_start3A_201 : memref<1x4x128xi32, #tpu.memory_space<hbm>> -> memref<4x128xi32, #tpu.memory_space<hbm>>
        %dma_start3A_203 = tpu.memref_slice %arg15[%dma_start3A_195] : memref<2x!tpu.dma_semaphore, #tpu.memory_space<semaphore_mem>> -> memref<1x!tpu.dma_semaphore, #tpu.memory_space<semaphore_mem>>
        %dma_start3A_204 = tpu.memref_squeeze %dma_start3A_203 : memref<1x!tpu.dma_semaphore, #tpu.memory_space<semaphore_mem>> -> memref<!tpu.dma_semaphore, #tpu.memory_space<semaphore_mem>>
        %dma_start3A_205 = arith.constant 0 : i32
        %dma_start3A_206 = arith.constant 0 : i32
        %dma_start3A_207 = tpu.memref_slice %arg7[%dma_start3A_205, %dma_start3A_206] : memref<8x128xi32, #tpu.memory_space<vmem>> -> memref<4x128xi32, #tpu.memory_space<vmem>>
        %dma_start3A_208 = arith.constant 0 : i32
        %dma_start3A_209 = arith.constant 0 : i32
        %dma_start3A_210 = tpu.memref_slice %arg2[%add3A_157, %dma_start3A_208, %dma_start3A_209] : memref<2500x4x128xi32, #tpu.memory_space<hbm>> -> memref<1x4x128xi32, #tpu.memory_space<hbm>>
        %dma_start3A_211 = tpu.memref_squeeze %dma_start3A_210 : memref<1x4x128xi32, #tpu.memory_space<hbm>> -> memref<4x128xi32, #tpu.memory_space<hbm>>
        tpu.enqueue_dma source(%dma_start3A_211 : memref<4x128xi32, #tpu.memory_space<hbm>>) target(%dma_start3A_207 : memref<4x128xi32, #tpu.memory_space<vmem>>) target_semaphore(%dma_start3A_204 : memref<!tpu.dma_semaphore, #tpu.memory_space<semaphore_mem>>)
      } else {
      }
      %add3A_163 = arith.constant 2 : i32
      %add3A_164 = arith.addi %mul3A_131, %add3A_163 : i32
      %add3A_165 = arith.constant 1 : i32
      %add3A_166 = arith.addi %add3A_164, %add3A_165 : i32
      %mul3A_167 = arith.constant 32 : i32
      %mul3A_168 = arith.muli %mul3A_167, %add3A_166 : i32
      %add3A_169 = arith.addi %add3A, %mul3A_168 : i32
      %lt3A_170 = arith.constant 2500 : i32
      %lt3A_171 = arith.cmpi slt, %add3A_169, %lt3A_170 : i32
      %convert_element_type3A_172 = arith.extui %lt3A_171 : i1 to i32
      %cond3A_173 = arith.constant 0 : i32
      %cond3A_174 = arith.cmpi ne, %convert_element_type3A_172, %cond3A_173 : i32
      scf.if %cond3A_174 {
        %dma_start3A_195 = arith.constant 1 : i32
        %dma_start3A_196 = arith.constant 4 : i32
        %dma_start3A_197 = arith.constant 0 : i32
        %dma_start3A_198 = tpu.memref_slice %arg7[%dma_start3A_196, %dma_start3A_197] : memref<8x128xi32, #tpu.memory_space<vmem>> -> memref<4x128xi32, #tpu.memory_space<vmem>>
        %dma_start3A_199 = arith.constant 0 : i32
        %dma_start3A_200 = arith.constant 0 : i32
        %dma_start3A_201 = tpu.memref_slice %arg2[%add3A_169, %dma_start3A_199, %dma_start3A_200] : memref<2500x4x128xi32, #tpu.memory_space<hbm>> -> memref<1x4x128xi32, #tpu.memory_space<hbm>>
        %dma_start3A_202 = tpu.memref_squeeze %dma_start3A_201 : memref<1x4x128xi32, #tpu.memory_space<hbm>> -> memref<4x128xi32, #tpu.memory_space<hbm>>
        %dma_start3A_203 = tpu.memref_slice %arg15[%dma_start3A_195] : memref<2x!tpu.dma_semaphore, #tpu.memory_space<semaphore_mem>> -> memref<1x!tpu.dma_semaphore, #tpu.memory_space<semaphore_mem>>
        %dma_start3A_204 = tpu.memref_squeeze %dma_start3A_203 : memref<1x!tpu.dma_semaphore, #tpu.memory_space<semaphore_mem>> -> memref<!tpu.dma_semaphore, #tpu.memory_space<semaphore_mem>>
        %dma_start3A_205 = arith.constant 4 : i32
        %dma_start3A_206 = arith.constant 0 : i32
        %dma_start3A_207 = tpu.memref_slice %arg7[%dma_start3A_205, %dma_start3A_206] : memref<8x128xi32, #tpu.memory_space<vmem>> -> memref<4x128xi32, #tpu.memory_space<vmem>>
        %dma_start3A_208 = arith.constant 0 : i32
        %dma_start3A_209 = arith.constant 0 : i32
        %dma_start3A_210 = tpu.memref_slice %arg2[%add3A_169, %dma_start3A_208, %dma_start3A_209] : memref<2500x4x128xi32, #tpu.memory_space<hbm>> -> memref<1x4x128xi32, #tpu.memory_space<hbm>>
        %dma_start3A_211 = tpu.memref_squeeze %dma_start3A_210 : memref<1x4x128xi32, #tpu.memory_space<hbm>> -> memref<4x128xi32, #tpu.memory_space<hbm>>
        tpu.enqueue_dma source(%dma_start3A_211 : memref<4x128xi32, #tpu.memory_space<hbm>>) target(%dma_start3A_207 : memref<4x128xi32, #tpu.memory_space<vmem>>) target_semaphore(%dma_start3A_204 : memref<!tpu.dma_semaphore, #tpu.memory_space<semaphore_mem>>)
      } else {
      }
      %add3A_175 = arith.constant 0 : i32
      %add3A_176 = arith.addi %mul3A_131, %add3A_175 : i32
      %mul3A_177 = arith.constant 32 : i32
      %mul3A_178 = arith.muli %mul3A_177, %add3A_176 : i32
      %add3A_179 = arith.addi %add3A, %mul3A_178 : i32
      %lt3A_180 = arith.constant 2500 : i32
      %lt3A_181 = arith.cmpi slt, %add3A_179, %lt3A_180 : i32
      %convert_element_type3A_182 = arith.extui %lt3A_181 : i1 to i32
      %cond3A_183 = arith.constant 0 : i32
      %cond3A_184 = arith.cmpi ne, %convert_element_type3A_182, %cond3A_183 : i32
      scf.if %cond3A_184 {
        %dma_wait3A_195 = arith.constant 0 : i32
        %dma_wait3A_196 = arith.constant 0 : i32
        %dma_wait3A_197 = arith.constant 0 : i32
        %dma_wait3A_198 = tpu.memref_slice %arg11[%dma_wait3A_196, %dma_wait3A_197] : memref<256x128xf32, #tpu.memory_space<vmem>> -> memref<64x128xf32, #tpu.memory_space<vmem>>
        %dma_wait3A_199 = arith.constant 0 : i32
        %dma_wait3A_200 = tpu.memref_slice %arg8[%dma_wait3A_199] : memref<256xi32, #tpu.memory_space<vmem>> -> memref<64xi32, #tpu.memory_space<vmem>>
        %dma_wait3A_201 = arith.constant 0 : i32
        %dma_wait3A_202 = arith.constant 0 : i32
        %dma_wait3A_203 = tpu.memref_slice %arg14[%dma_wait3A_201, %dma_wait3A_202] : memref<10000x128xf32, #tpu.memory_space<vmem_shared>> -> memref<10000x128xf32, #tpu.memory_space<vmem_shared>>
        %dma_wait3A_204 = tpu.memref_slice %arg16[%dma_wait3A_195] : memref<2x!tpu.dma_semaphore, #tpu.memory_space<semaphore_mem>> -> memref<1x!tpu.dma_semaphore, #tpu.memory_space<semaphore_mem>>
        %dma_wait3A_205 = tpu.memref_squeeze %dma_wait3A_204 : memref<1x!tpu.dma_semaphore, #tpu.memory_space<semaphore_mem>> -> memref<!tpu.dma_semaphore, #tpu.memory_space<semaphore_mem>>
        tpu.wait_indirect_dma semaphore(%dma_wait3A_205 : memref<!tpu.dma_semaphore, #tpu.memory_space<semaphore_mem>>) src(%dma_wait3A_203 : memref<10000x128xf32, #tpu.memory_space<vmem_shared>>) dst(%dma_wait3A_198 : memref<64x128xf32, #tpu.memory_space<vmem>>)
        %dma_wait3A_206 = arith.constant 0 : i32
        %dma_wait3A_207 = arith.constant 0 : i32
        %dma_wait3A_208 = arith.constant 0 : i32
        %dma_wait3A_209 = tpu.memref_slice %arg11[%dma_wait3A_207, %dma_wait3A_208] : memref<256x128xf32, #tpu.memory_space<vmem>> -> memref<64x128xf32, #tpu.memory_space<vmem>>
        %dma_wait3A_210 = arith.constant 0 : i32
        %dma_wait3A_211 = tpu.memref_slice %arg9[%dma_wait3A_210] : memref<256xi32, #tpu.memory_space<vmem>> -> memref<64xi32, #tpu.memory_space<vmem>>
        %dma_wait3A_212 = arith.constant 0 : i32
        %dma_wait3A_213 = arith.constant 0 : i32
        %dma_wait3A_214 = tpu.memref_slice %arg14[%dma_wait3A_212, %dma_wait3A_213] : memref<10000x128xf32, #tpu.memory_space<vmem_shared>> -> memref<10000x128xf32, #tpu.memory_space<vmem_shared>>
        %dma_wait3A_215 = tpu.memref_slice %arg16[%dma_wait3A_206] : memref<2x!tpu.dma_semaphore, #tpu.memory_space<semaphore_mem>> -> memref<1x!tpu.dma_semaphore, #tpu.memory_space<semaphore_mem>>
        %dma_wait3A_216 = tpu.memref_squeeze %dma_wait3A_215 : memref<1x!tpu.dma_semaphore, #tpu.memory_space<semaphore_mem>> -> memref<!tpu.dma_semaphore, #tpu.memory_space<semaphore_mem>>
        tpu.wait_indirect_dma semaphore(%dma_wait3A_216 : memref<!tpu.dma_semaphore, #tpu.memory_space<semaphore_mem>>) src(%dma_wait3A_214 : memref<10000x128xf32, #tpu.memory_space<vmem_shared>>) dst(%dma_wait3A_209 : memref<64x128xf32, #tpu.memory_space<vmem>>)
        %dma_wait3A_217 = arith.constant 0 : i32
        %dma_wait3A_218 = arith.constant 64 : i32
        %dma_wait3A_219 = arith.constant 0 : i32
        %dma_wait3A_220 = tpu.memref_slice %arg11[%dma_wait3A_218, %dma_wait3A_219] : memref<256x128xf32, #tpu.memory_space<vmem>> -> memref<64x128xf32, #tpu.memory_space<vmem>>
        %dma_wait3A_221 = arith.constant 64 : i32
        %dma_wait3A_222 = tpu.memref_slice %arg8[%dma_wait3A_221] : memref<256xi32, #tpu.memory_space<vmem>> -> memref<64xi32, #tpu.memory_space<vmem>>
        %dma_wait3A_223 = arith.constant 0 : i32
        %dma_wait3A_224 = arith.constant 0 : i32
        %dma_wait3A_225 = tpu.memref_slice %arg14[%dma_wait3A_223, %dma_wait3A_224] : memref<10000x128xf32, #tpu.memory_space<vmem_shared>> -> memref<10000x128xf32, #tpu.memory_space<vmem_shared>>
        %dma_wait3A_226 = tpu.memref_slice %arg16[%dma_wait3A_217] : memref<2x!tpu.dma_semaphore, #tpu.memory_space<semaphore_mem>> -> memref<1x!tpu.dma_semaphore, #tpu.memory_space<semaphore_mem>>
        %dma_wait3A_227 = tpu.memref_squeeze %dma_wait3A_226 : memref<1x!tpu.dma_semaphore, #tpu.memory_space<semaphore_mem>> -> memref<!tpu.dma_semaphore, #tpu.memory_space<semaphore_mem>>
        tpu.wait_indirect_dma semaphore(%dma_wait3A_227 : memref<!tpu.dma_semaphore, #tpu.memory_space<semaphore_mem>>) src(%dma_wait3A_225 : memref<10000x128xf32, #tpu.memory_space<vmem_shared>>) dst(%dma_wait3A_220 : memref<64x128xf32, #tpu.memory_space<vmem>>)
        %dma_wait3A_228 = arith.constant 0 : i32
        %dma_wait3A_229 = arith.constant 64 : i32
        %dma_wait3A_230 = arith.constant 0 : i32
        %dma_wait3A_231 = tpu.memref_slice %arg11[%dma_wait3A_229, %dma_wait3A_230] : memref<256x128xf32, #tpu.memory_space<vmem>> -> memref<64x128xf32, #tpu.memory_space<vmem>>
        %dma_wait3A_232 = arith.constant 64 : i32
        %dma_wait3A_233 = tpu.memref_slice %arg9[%dma_wait3A_232] : memref<256xi32, #tpu.memory_space<vmem>> -> memref<64xi32, #tpu.memory_space<vmem>>
        %dma_wait3A_234 = arith.constant 0 : i32
        %dma_wait3A_235 = arith.constant 0 : i32
        %dma_wait3A_236 = tpu.memref_slice %arg14[%dma_wait3A_234, %dma_wait3A_235] : memref<10000x128xf32, #tpu.memory_space<vmem_shared>> -> memref<10000x128xf32, #tpu.memory_space<vmem_shared>>
        %dma_wait3A_237 = tpu.memref_slice %arg16[%dma_wait3A_228] : memref<2x!tpu.dma_semaphore, #tpu.memory_space<semaphore_mem>> -> memref<1x!tpu.dma_semaphore, #tpu.memory_space<semaphore_mem>>
        %dma_wait3A_238 = tpu.memref_squeeze %dma_wait3A_237 : memref<1x!tpu.dma_semaphore, #tpu.memory_space<semaphore_mem>> -> memref<!tpu.dma_semaphore, #tpu.memory_space<semaphore_mem>>
        tpu.wait_indirect_dma semaphore(%dma_wait3A_238 : memref<!tpu.dma_semaphore, #tpu.memory_space<semaphore_mem>>) src(%dma_wait3A_236 : memref<10000x128xf32, #tpu.memory_space<vmem_shared>>) dst(%dma_wait3A_231 : memref<64x128xf32, #tpu.memory_space<vmem>>)
        %mul3A_239 = arith.constant 128 : i32
        %mul3A_240 = arith.muli %add3A_179, %mul3A_239 : i32
        %dma_start3A_241 = arith.constant 0 : i32
        %dma_start3A_242 = arith.constant 0 : i32
        %dma_start3A_243 = arith.constant 0 : i32
        %dma_start3A_244 = tpu.memref_slice %arg11[%dma_start3A_242, %dma_start3A_243] : memref<256x128xf32, #tpu.memory_space<vmem>> -> memref<128x128xf32, #tpu.memory_space<vmem>>
        %dma_start3A_245 = arith.constant 0 : i32
        %dma_start3A_246 = tpu.memref_slice %arg6[%mul3A_240, %dma_start3A_245] : memref<320000x128xf32, #tpu.memory_space<hbm>> -> memref<128x128xf32, #tpu.memory_space<hbm>>
        %dma_start3A_247 = tpu.memref_slice %arg17[%dma_start3A_241] : memref<2x!tpu.dma_semaphore, #tpu.memory_space<semaphore_mem>> -> memref<1x!tpu.dma_semaphore, #tpu.memory_space<semaphore_mem>>
        %dma_start3A_248 = tpu.memref_squeeze %dma_start3A_247 : memref<1x!tpu.dma_semaphore, #tpu.memory_space<semaphore_mem>> -> memref<!tpu.dma_semaphore, #tpu.memory_space<semaphore_mem>>
        %dma_start3A_249 = arith.constant 0 : i32
        %dma_start3A_250 = tpu.memref_slice %arg6[%mul3A_240, %dma_start3A_249] : memref<320000x128xf32, #tpu.memory_space<hbm>> -> memref<128x128xf32, #tpu.memory_space<hbm>>
        %dma_start3A_251 = arith.constant 0 : i32
        %dma_start3A_252 = arith.constant 0 : i32
        %dma_start3A_253 = tpu.memref_slice %arg11[%dma_start3A_251, %dma_start3A_252] : memref<256x128xf32, #tpu.memory_space<vmem>> -> memref<128x128xf32, #tpu.memory_space<vmem>>
        tpu.enqueue_dma source(%dma_start3A_253 : memref<128x128xf32, #tpu.memory_space<vmem>>) target(%dma_start3A_250 : memref<128x128xf32, #tpu.memory_space<hbm>>) target_semaphore(%dma_start3A_248 : memref<!tpu.dma_semaphore, #tpu.memory_space<semaphore_mem>>)
      } else {
      }
      %add3A_185 = arith.constant 1 : i32
      %add3A_186 = arith.addi %mul3A_131, %add3A_185 : i32
      %mul3A_187 = arith.constant 32 : i32
      %mul3A_188 = arith.muli %mul3A_187, %add3A_186 : i32
      %add3A_189 = arith.addi %add3A, %mul3A_188 : i32
      %lt3A_190 = arith.constant 2500 : i32
      %lt3A_191 = arith.cmpi slt, %add3A_189, %lt3A_190 : i32
      %convert_element_type3A_192 = arith.extui %lt3A_191 : i1 to i32
      %cond3A_193 = arith.constant 0 : i32
      %cond3A_194 = arith.cmpi ne, %convert_element_type3A_192, %cond3A_193 : i32
      scf.if %cond3A_194 {
        %dma_wait3A_195 = arith.constant 1 : i32
        %dma_wait3A_196 = arith.constant 128 : i32
        %dma_wait3A_197 = arith.constant 0 : i32
        %dma_wait3A_198 = tpu.memref_slice %arg11[%dma_wait3A_196, %dma_wait3A_197] : memref<256x128xf32, #tpu.memory_space<vmem>> -> memref<64x128xf32, #tpu.memory_space<vmem>>
        %dma_wait3A_199 = arith.constant 128 : i32
        %dma_wait3A_200 = tpu.memref_slice %arg8[%dma_wait3A_199] : memref<256xi32, #tpu.memory_space<vmem>> -> memref<64xi32, #tpu.memory_space<vmem>>
        %dma_wait3A_201 = arith.constant 0 : i32
        %dma_wait3A_202 = arith.constant 0 : i32
        %dma_wait3A_203 = tpu.memref_slice %arg14[%dma_wait3A_201, %dma_wait3A_202] : memref<10000x128xf32, #tpu.memory_space<vmem_shared>> -> memref<10000x128xf32, #tpu.memory_space<vmem_shared>>
        %dma_wait3A_204 = tpu.memref_slice %arg16[%dma_wait3A_195] : memref<2x!tpu.dma_semaphore, #tpu.memory_space<semaphore_mem>> -> memref<1x!tpu.dma_semaphore, #tpu.memory_space<semaphore_mem>>
        %dma_wait3A_205 = tpu.memref_squeeze %dma_wait3A_204 : memref<1x!tpu.dma_semaphore, #tpu.memory_space<semaphore_mem>> -> memref<!tpu.dma_semaphore, #tpu.memory_space<semaphore_mem>>
        tpu.wait_indirect_dma semaphore(%dma_wait3A_205 : memref<!tpu.dma_semaphore, #tpu.memory_space<semaphore_mem>>) src(%dma_wait3A_203 : memref<10000x128xf32, #tpu.memory_space<vmem_shared>>) dst(%dma_wait3A_198 : memref<64x128xf32, #tpu.memory_space<vmem>>)
        %dma_wait3A_206 = arith.constant 1 : i32
        %dma_wait3A_207 = arith.constant 128 : i32
        %dma_wait3A_208 = arith.constant 0 : i32
        %dma_wait3A_209 = tpu.memref_slice %arg11[%dma_wait3A_207, %dma_wait3A_208] : memref<256x128xf32, #tpu.memory_space<vmem>> -> memref<64x128xf32, #tpu.memory_space<vmem>>
        %dma_wait3A_210 = arith.constant 128 : i32
        %dma_wait3A_211 = tpu.memref_slice %arg9[%dma_wait3A_210] : memref<256xi32, #tpu.memory_space<vmem>> -> memref<64xi32, #tpu.memory_space<vmem>>
        %dma_wait3A_212 = arith.constant 0 : i32
        %dma_wait3A_213 = arith.constant 0 : i32
        %dma_wait3A_214 = tpu.memref_slice %arg14[%dma_wait3A_212, %dma_wait3A_213] : memref<10000x128xf32, #tpu.memory_space<vmem_shared>> -> memref<10000x128xf32, #tpu.memory_space<vmem_shared>>
        %dma_wait3A_215 = tpu.memref_slice %arg16[%dma_wait3A_206] : memref<2x!tpu.dma_semaphore, #tpu.memory_space<semaphore_mem>> -> memref<1x!tpu.dma_semaphore, #tpu.memory_space<semaphore_mem>>
        %dma_wait3A_216 = tpu.memref_squeeze %dma_wait3A_215 : memref<1x!tpu.dma_semaphore, #tpu.memory_space<semaphore_mem>> -> memref<!tpu.dma_semaphore, #tpu.memory_space<semaphore_mem>>
        tpu.wait_indirect_dma semaphore(%dma_wait3A_216 : memref<!tpu.dma_semaphore, #tpu.memory_space<semaphore_mem>>) src(%dma_wait3A_214 : memref<10000x128xf32, #tpu.memory_space<vmem_shared>>) dst(%dma_wait3A_209 : memref<64x128xf32, #tpu.memory_space<vmem>>)
        %dma_wait3A_217 = arith.constant 1 : i32
        %dma_wait3A_218 = arith.constant 192 : i32
        %dma_wait3A_219 = arith.constant 0 : i32
        %dma_wait3A_220 = tpu.memref_slice %arg11[%dma_wait3A_218, %dma_wait3A_219] : memref<256x128xf32, #tpu.memory_space<vmem>> -> memref<64x128xf32, #tpu.memory_space<vmem>>
        %dma_wait3A_221 = arith.constant 192 : i32
        %dma_wait3A_222 = tpu.memref_slice %arg8[%dma_wait3A_221] : memref<256xi32, #tpu.memory_space<vmem>> -> memref<64xi32, #tpu.memory_space<vmem>>
        %dma_wait3A_223 = arith.constant 0 : i32
        %dma_wait3A_224 = arith.constant 0 : i32
        %dma_wait3A_225 = tpu.memref_slice %arg14[%dma_wait3A_223, %dma_wait3A_224] : memref<10000x128xf32, #tpu.memory_space<vmem_shared>> -> memref<10000x128xf32, #tpu.memory_space<vmem_shared>>
        %dma_wait3A_226 = tpu.memref_slice %arg16[%dma_wait3A_217] : memref<2x!tpu.dma_semaphore, #tpu.memory_space<semaphore_mem>> -> memref<1x!tpu.dma_semaphore, #tpu.memory_space<semaphore_mem>>
        %dma_wait3A_227 = tpu.memref_squeeze %dma_wait3A_226 : memref<1x!tpu.dma_semaphore, #tpu.memory_space<semaphore_mem>> -> memref<!tpu.dma_semaphore, #tpu.memory_space<semaphore_mem>>
        tpu.wait_indirect_dma semaphore(%dma_wait3A_227 : memref<!tpu.dma_semaphore, #tpu.memory_space<semaphore_mem>>) src(%dma_wait3A_225 : memref<10000x128xf32, #tpu.memory_space<vmem_shared>>) dst(%dma_wait3A_220 : memref<64x128xf32, #tpu.memory_space<vmem>>)
        %dma_wait3A_228 = arith.constant 1 : i32
        %dma_wait3A_229 = arith.constant 192 : i32
        %dma_wait3A_230 = arith.constant 0 : i32
        %dma_wait3A_231 = tpu.memref_slice %arg11[%dma_wait3A_229, %dma_wait3A_230] : memref<256x128xf32, #tpu.memory_space<vmem>> -> memref<64x128xf32, #tpu.memory_space<vmem>>
        %dma_wait3A_232 = arith.constant 192 : i32
        %dma_wait3A_233 = tpu.memref_slice %arg9[%dma_wait3A_232] : memref<256xi32, #tpu.memory_space<vmem>> -> memref<64xi32, #tpu.memory_space<vmem>>
        %dma_wait3A_234 = arith.constant 0 : i32
        %dma_wait3A_235 = arith.constant 0 : i32
        %dma_wait3A_236 = tpu.memref_slice %arg14[%dma_wait3A_234, %dma_wait3A_235] : memref<10000x128xf32, #tpu.memory_space<vmem_shared>> -> memref<10000x128xf32, #tpu.memory_space<vmem_shared>>
        %dma_wait3A_237 = tpu.memref_slice %arg16[%dma_wait3A_228] : memref<2x!tpu.dma_semaphore, #tpu.memory_space<semaphore_mem>> -> memref<1x!tpu.dma_semaphore, #tpu.memory_space<semaphore_mem>>
        %dma_wait3A_238 = tpu.memref_squeeze %dma_wait3A_237 : memref<1x!tpu.dma_semaphore, #tpu.memory_space<semaphore_mem>> -> memref<!tpu.dma_semaphore, #tpu.memory_space<semaphore_mem>>
        tpu.wait_indirect_dma semaphore(%dma_wait3A_238 : memref<!tpu.dma_semaphore, #tpu.memory_space<semaphore_mem>>) src(%dma_wait3A_236 : memref<10000x128xf32, #tpu.memory_space<vmem_shared>>) dst(%dma_wait3A_231 : memref<64x128xf32, #tpu.memory_space<vmem>>)
        %mul3A_239 = arith.constant 128 : i32
        %mul3A_240 = arith.muli %add3A_189, %mul3A_239 : i32
        %dma_start3A_241 = arith.constant 1 : i32
        %dma_start3A_242 = arith.constant 128 : i32
        %dma_start3A_243 = arith.constant 0 : i32
        %dma_start3A_244 = tpu.memref_slice %arg11[%dma_start3A_242, %dma_start3A_243] : memref<256x128xf32, #tpu.memory_space<vmem>> -> memref<128x128xf32, #tpu.memory_space<vmem>>
        %dma_start3A_245 = arith.constant 0 : i32
        %dma_start3A_246 = tpu.memref_slice %arg6[%mul3A_240, %dma_start3A_245] : memref<320000x128xf32, #tpu.memory_space<hbm>> -> memref<128x128xf32, #tpu.memory_space<hbm>>
        %dma_start3A_247 = tpu.memref_slice %arg17[%dma_start3A_241] : memref<2x!tpu.dma_semaphore, #tpu.memory_space<semaphore_mem>> -> memref<1x!tpu.dma_semaphore, #tpu.memory_space<semaphore_mem>>
        %dma_start3A_248 = tpu.memref_squeeze %dma_start3A_247 : memref<1x!tpu.dma_semaphore, #tpu.memory_space<semaphore_mem>> -> memref<!tpu.dma_semaphore, #tpu.memory_space<semaphore_mem>>
        %dma_start3A_249 = arith.constant 0 : i32
        %dma_start3A_250 = tpu.memref_slice %arg6[%mul3A_240, %dma_start3A_249] : memref<320000x128xf32, #tpu.memory_space<hbm>> -> memref<128x128xf32, #tpu.memory_space<hbm>>
        %dma_start3A_251 = arith.constant 128 : i32
        %dma_start3A_252 = arith.constant 0 : i32
        %dma_start3A_253 = tpu.memref_slice %arg11[%dma_start3A_251, %dma_start3A_252] : memref<256x128xf32, #tpu.memory_space<vmem>> -> memref<128x128xf32, #tpu.memory_space<vmem>>
        tpu.enqueue_dma source(%dma_start3A_253 : memref<128x128xf32, #tpu.memory_space<vmem>>) target(%dma_start3A_250 : memref<128x128xf32, #tpu.memory_space<hbm>>) target_semaphore(%dma_start3A_248 : memref<!tpu.dma_semaphore, #tpu.memory_space<semaphore_mem>>)
      } else {
      }
    }
    %scan3A_99 = arith.constant 40 : i32
    %dma_wait3A = arith.constant 0 : i32
    %dma_wait3A_100 = arith.constant 0 : i32
    %dma_wait3A_101 = arith.constant 0 : i32
    %dma_wait3A_102 = tpu.memref_slice %arg11[%dma_wait3A_100, %dma_wait3A_101] : memref<256x128xf32, #tpu.memory_space<vmem>> -> memref<128x128xf32, #tpu.memory_space<vmem>>
    %dma_wait3A_103 = arith.constant 0 : i32
    %dma_wait3A_104 = arith.constant 0 : i32
    %dma_wait3A_105 = tpu.memref_slice %arg6[%dma_wait3A_103, %dma_wait3A_104] : memref<320000x128xf32, #tpu.memory_space<hbm>> -> memref<128x128xf32, #tpu.memory_space<hbm>>
    %dma_wait3A_106 = tpu.memref_slice %arg17[%dma_wait3A] : memref<2x!tpu.dma_semaphore, #tpu.memory_space<semaphore_mem>> -> memref<1x!tpu.dma_semaphore, #tpu.memory_space<semaphore_mem>>
    %dma_wait3A_107 = tpu.memref_squeeze %dma_wait3A_106 : memref<1x!tpu.dma_semaphore, #tpu.memory_space<semaphore_mem>> -> memref<!tpu.dma_semaphore, #tpu.memory_space<semaphore_mem>>
    %dma_wait3A_108 = arith.constant 0 : i32
    %dma_wait3A_109 = arith.constant 0 : i32
    %dma_wait3A_110 = tpu.memref_slice %arg11[%dma_wait3A_108, %dma_wait3A_109] : memref<256x128xf32, #tpu.memory_space<vmem>> -> memref<128x128xf32, #tpu.memory_space<vmem>>
    %dma_wait3A_111 = arith.constant 0 : i32
    %dma_wait3A_112 = arith.constant 0 : i32
    %dma_wait3A_113 = tpu.memref_slice %arg6[%dma_wait3A_111, %dma_wait3A_112] : memref<320000x128xf32, #tpu.memory_space<hbm>> -> memref<128x128xf32, #tpu.memory_space<hbm>>
    tpu.wait_dma2 semaphore(%dma_wait3A_107 : memref<!tpu.dma_semaphore, #tpu.memory_space<semaphore_mem>>) src(%dma_wait3A_113 : memref<128x128xf32, #tpu.memory_space<hbm>>) dst(%dma_wait3A_110 : memref<128x128xf32, #tpu.memory_space<vmem>>)
    %dma_wait3A_114 = arith.constant 1 : i32
    %dma_wait3A_115 = arith.constant 128 : i32
    %dma_wait3A_116 = arith.constant 0 : i32
    %dma_wait3A_117 = tpu.memref_slice %arg11[%dma_wait3A_115, %dma_wait3A_116] : memref<256x128xf32, #tpu.memory_space<vmem>> -> memref<128x128xf32, #tpu.memory_space<vmem>>
    %dma_wait3A_118 = arith.constant 0 : i32
    %dma_wait3A_119 = arith.constant 0 : i32
    %dma_wait3A_120 = tpu.memref_slice %arg6[%dma_wait3A_118, %dma_wait3A_119] : memref<320000x128xf32, #tpu.memory_space<hbm>> -> memref<128x128xf32, #tpu.memory_space<hbm>>
    %dma_wait3A_121 = tpu.memref_slice %arg17[%dma_wait3A_114] : memref<2x!tpu.dma_semaphore, #tpu.memory_space<semaphore_mem>> -> memref<1x!tpu.dma_semaphore, #tpu.memory_space<semaphore_mem>>
    %dma_wait3A_122 = tpu.memref_squeeze %dma_wait3A_121 : memref<1x!tpu.dma_semaphore, #tpu.memory_space<semaphore_mem>> -> memref<!tpu.dma_semaphore, #tpu.memory_space<semaphore_mem>>
    %dma_wait3A_123 = arith.constant 128 : i32
    %dma_wait3A_124 = arith.constant 0 : i32
    %dma_wait3A_125 = tpu.memref_slice %arg11[%dma_wait3A_123, %dma_wait3A_124] : memref<256x128xf32, #tpu.memory_space<vmem>> -> memref<128x128xf32, #tpu.memory_space<vmem>>
    %dma_wait3A_126 = arith.constant 0 : i32
    %dma_wait3A_127 = arith.constant 0 : i32
    %dma_wait3A_128 = tpu.memref_slice %arg6[%dma_wait3A_126, %dma_wait3A_127] : memref<320000x128xf32, #tpu.memory_space<hbm>> -> memref<128x128xf32, #tpu.memory_space<hbm>>
    tpu.wait_dma2 semaphore(%dma_wait3A_122 : memref<!tpu.dma_semaphore, #tpu.memory_space<semaphore_mem>>) src(%dma_wait3A_128 : memref<128x128xf32, #tpu.memory_space<hbm>>) dst(%dma_wait3A_125 : memref<128x128xf32, #tpu.memory_space<vmem>>)
    return
  }
}

</mosaic_0001>

<sc_bundles>
// kernel: _run.3.cloned.1.call-start
scs
__scs_entry_jumppad:
0x0: {  	(pc) =	sbr.rel $0x88, $3  }
0x1: {  	(tag) =	ssettag $0x0;
	lr =	simm.s32 $0x1  }
0x2: {  	[smem:$0x3F9D] =	sst lr;
	_ =	strace $0xD0000000  }
0x3: {  	_ = 	snop  }
0x4: {  	_ = 	snop  }
0x5: {  	_ = 	snop  }
0x6: {  	_ = 	snop  }
0x7: {  	_ = 	snop  }
__scs_overlays_trampoline_lowered:
0x8: {  	[smem:$0x3FAC] =	sst s0  }
0x9: {  	[smem:$0x3FAD] =	sst s1  }
0xa: {  	[smem:$0x3FAE] =	sst s2  }
0xb: {  	[smem:$0x3FAF] =	sst s3  }
0xc: {  	[smem:$0x3FB0] =	sst s4  }
0xd: {  	[smem:$0x3FB1] =	sst s5  }
0xe: {  	[smem:$0x3FB2] =	sst s6  }
0xf: {  	[smem:$0x3FB3] =	sst s7  }
0x10: {  	[smem:$0x3FB4] =	sst s8  }
0x11: {  	[smem:$0x3FB5] =	sst s9;
	s0 =	simm.s32 @!p0 $0x0  }
0x12: {  	s1 =	sld [smem:$0x3F9B];
	s0 =	simm.s32 @p0 $0x1  }
0x13: {  	[smem:$0x3FB6] =	sst s0;
	s0 =	simm.s32 @!p1 $0x0  }
0x14: {  	s2 =	sld [smem:$0x3F9A];
	s0 =	simm.s32 @p1 $0x1  }
0x15: {  	[smem:$0x3FB7] =	sst s0;
	s0 =	simm.s32 @!p2 $0x0  }
0x16: {  	s3 =	sld [smem:$0x3FDB];
	s0 =	simm.s32 @p2 $0x1  }
0x17: {  	s4 =	simm.s32 $0x1BF5;
	[smem:$0x3FB9] =	sst s0  }
0x18: {  	s0 =	sld [smem:$0x3F9C];
	_ =	swait.ge [sflag:s4], $0x0  }
0x19: {  	s7 =	sld [smem:$0x3F9D]  }
0x1a: {  	s8 =	sadd.s32 $0xFFFFE003, lr  }
0x1b: {  	s9 =	sadd.s32 $0xFFFFFEF7, lr;
	s5 =	simm.s32 $0xFFFFFFFF;
	p2 =	slt.u32 s8, $0xFFFFF086  }
0x1c: {  	p1 =	slt.u32 s9, $0xF7A;
	s5 =	simm.s32 @!p2 $0x0  }
0x1d: {  	s5 =	simm.s32 @p1 $0x1;
	p0 =	seq.s32 s7, s2  }
0x1e: {  	s7 =	smul.u32 @!p0 $0xF7A, s2;
	p2 =	seq.s32 @!p0 s5, $0x0  }
0x1f: {  	s9 =	smul.u32 $0xF7A, s1;
	s8 =	simm.s32 @!p0 $0x1BF5;
	p2 =	por !p2, p0  }
0x20: {  	[sflag:s8] =	ssyncset.s32 @!p0 $0xFFFFF086;
	s6 =	sadd.s32 @!p0 s3, s7;
	s7 =	simm.s32 @!p0 $0x108  }
0x21: {  	s3 =	sadd.s32 s3, s9;
	s6 =	sadd.s32 @!p0 $0x88, s6;
	s7 =	simm.s32 @p2 $0x1082  }
0x22: {  	[simem:s7], [sflag:s8] =	dma.local @!p0 [hbm:s6], $0xF7A  }
0x23: {  	s9 =	sor.u32 $0xD0000000, s2;
	s6 =	simm.s32 $0x108;
	_ =	swait.ge @!p0 [sflag:s8], $0x0  }
0x24: {  	s3 =	sadd.s32 $0x88, s3;
	s6 =	simm.s32 @!p1 $0x1082;
	[sflag:s4] =	ssyncset.s32 $0xFFFFF086  }
0x25: {  	[simem:s6], [sflag:s4] =	dma.local [hbm:s3], $0xF7A  }
0x26: {  	[smem:$0x3F9D] =	sst s1;
	(tag) =	ssettag s2;
	_ =	strace s9  }
0x27: {  	s1 =	sld [smem:$0x3FAD]  }
0x28: {  	s2 =	sld [smem:$0x3FAE]  }
0x29: {  	s4 =	sld [smem:$0x3FB0]  }
0x2a: {  	p0 =	seq.s32 s5, $0x0;
	s5 =	sld [smem:$0x3FB1]  }
0x2b: {  	s6 =	sld [smem:$0x3FB2]  }
0x2c: {  	s7 =	sld [smem:$0x3FB3]  }
0x2d: {  	s3 =	simm.s32 $0x108;
	s8 =	sld [smem:$0x3FB4]  }
0x2e: {  	s3 =	simm.s32 @!p0 $0x1082;
	s9 =	sld [smem:$0x3FB5]  }
0x2f: {  	lr =	sadd.s32 s0, s3;
	s0 =	sld [smem:$0x3FAC]  }
0x30: {  	s3 =	sld [smem:$0x3FAF]  }
0x31: {  	[smem:$0x3FB8] =	sst s10  }
0x32: {  	s10 =	sld [smem:$0x3FB6];
	_ =	sdelay $0x3  }
0x33: {  	p0 =	seq.s32 s10, $0x1;
	s10 =	sld [smem:$0x3FB8];
	_ =	sdelay $0x3  }
0x34: {  	[smem:$0x3FB8] =	sst s10  }
0x35: {  	s10 =	sld [smem:$0x3FB7];
	_ =	sdelay $0x3  }
0x36: {  	p1 =	seq.s32 s10, $0x1;
	s10 =	sld [smem:$0x3FB8];
	_ =	sdelay $0x3  }
0x37: {  	[smem:$0x3FB8] =	sst s10  }
0x38: {  	s10 =	sld [smem:$0x3FB9]  }
0x39: {  	_ = 	snop;
	(pc) =	sbr.ind lr, $3  }
0x3a: {  	_ = 	snop  }
0x3b: {  	_ = 	snop  }
0x3c: {  	p2 =	seq.s32 s10, $0x1;
	s10 =	sld [smem:$0x3FB8]  }
0x3d: {  	_ =	shalt  }
0x3e: {  	_ =	shalt  }
0x3f: {  	_ =	shalt  }
0x40: {  	_ =	shalt  }
0x41: {  	_ =	shalt  }
0x42: {  	_ =	shalt  }
0x43: {  	_ =	shalt  }
0x44: {  	_ =	shalt  }
0x45: {  	_ =	shalt  }
0x46: {  	_ =	shalt  }
0x47: {  	_ =	shalt  }
0x48: {  	_ =	shalt  }
0x49: {  	_ =	shalt  }
0x4a: {  	_ =	shalt  }
0x4b: {  	_ =	shalt  }
0x4c: {  	_ =	shalt  }
0x4d: {  	_ =	shalt  }
0x4e: {  	_ =	shalt  }
0x4f: {  	_ =	shalt  }
0x50: {  	_ =	shalt  }
0x51: {  	_ =	shalt  }
0x52: {  	_ =	shalt  }
0x53: {  	_ =	shalt  }
0x54: {  	_ =	shalt  }
0x55: {  	_ =	shalt  }
0x56: {  	_ =	shalt  }
0x57: {  	_ =	shalt  }
0x58: {  	_ =	shalt  }
0x59: {  	_ =	shalt  }
0x5a: {  	_ =	shalt  }
0x5b: {  	_ =	shalt  }
0x5c: {  	_ =	shalt  }
0x5d: {  	_ =	shalt  }
0x5e: {  	_ =	shalt  }
0x5f: {  	_ =	shalt  }
0x60: {  	_ =	shalt  }
0x61: {  	_ =	shalt  }
0x62: {  	_ =	shalt  }
0x63: {  	_ =	shalt  }
0x64: {  	_ =	shalt  }
0x65: {  	_ =	shalt  }
0x66: {  	_ =	shalt  }
0x67: {  	_ =	shalt  }
0x68: {  	_ =	shalt  }
0x69: {  	_ =	shalt  }
0x6a: {  	_ =	shalt  }
0x6b: {  	_ =	shalt  }
0x6c: {  	_ =	shalt  }
0x6d: {  	_ =	shalt  }
0x6e: {  	_ =	shalt  }
0x6f: {  	_ =	shalt  }
0x70: {  	_ =	shalt  }
0x71: {  	_ =	shalt  }
0x72: {  	_ =	shalt  }
0x73: {  	_ =	shalt  }
0x74: {  	_ =	shalt  }
0x75: {  	_ =	shalt  }
0x76: {  	_ =	shalt  }
0x77: {  	_ =	shalt  }
0x78: {  	_ =	shalt  }
0x79: {  	_ =	shalt  }
0x7a: {  	_ =	shalt  }
0x7b: {  	_ =	shalt  }
0x7c: {  	_ =	shalt  }
0x7d: {  	_ =	shalt  }
0x7e: {  	_ =	shalt  }
0x7f: {  	_ =	shalt  }
0x80: {  	_ =	shalt  }
0x81: {  	_ =	shalt  }
0x82: {  	_ =	shalt  }
0x83: {  	_ =	shalt  }
0x84: {  	_ =	shalt  }
0x85: {  	_ =	shalt  }
0x86: {  	_ =	shalt  }
0x87: {  	_ =	shalt  }
.Lfunc_end0:
.L_simem_size_0:
called_computation_lowered:
.L_overlay_start_0:
0x88: {  	s2 =	sld [smem:$0x3FD9]  }
0x89: {  	s3 =	sld [smem:$0x3FFE];
	_ =	sdelay $0x1  }
0x8a: {  	s1 =	srdreg.scid  }
0x8b: {  	s0 =	sand.u32 $0x1, s1  }
0x8c: {  	s18 =	sshll.u32 s0, $0xA;
	s2 =	sadd.s32 s3, s2  }
0x8d: {  	s2 =	sadd.s32 s2, s18  }
0x8e: {  	[smem:$0x3FC4] =	sst s2  }
0x8f: {  	_ = 	snop  }
0x90: {  	s2 =	sld [smem:$0x3FC9]  }
0x91: {  	s19 =	sld [smem:$0x3FC8]  }
0x92: {  	s4 =	sld [smem:$0x3FC7]  }
0x93: {  	s5 =	sld [smem:$0x3FC6]  }
0x94: {  	s6 =	sld [smem:$0x3FD0];
	(tm) =	ssettm $0x1  }
0x95: {  	s7 =	sld [smem:$0x3FFB];
	_ =	sdelay $0x3  }
0x96: {  	_ =	strace s7  }
0x97: {  	s7 =	sld [smem:$0x3FFC];
	_ =	sdelay $0x3  }
0x98: {  	_ =	strace s7  }
0x99: {  	s7 =	sld [smem:$0x3FFD];
	_ =	sdelay $0x3  }
0x9a: {  	_ =	strace s7  }
0x9b: {  	_ =	strace $0x8FFFFFFF  }
0x9c: {  	s20 =	sld [smem:$0x3FDB];
	_ =	sdelay $0x1  }
0x9d: {  	s8 =	simm.s32 $_scs_section_size  }
0x9e: {  	s9 =	simm.s32 $_size__tile_overlayer_lowered;
	s10 =	simm.s32 $_tile_overlayer_lowered  }
0x9f: {  	s23 =	simm.s32 $0x1BFF;
	s22 =	sshll.u32 s10, $0x1;
	s7 =	sadd.s32 s8, s20  }
0xa0: {  	s11 =	simm.s32 $0x0;
	s21 =	sshll.u32 s9, $0x1;
	s9 =	sadd.s32 s22, s7  }
0xa1: {  	[timem:s11], [sflag:s23] =	dma.local [hbm:s9], s21  }
0xa2: {  	_ =	swait.ge [sflag:s23], s21  }
0xa3: {  	s8 =	ssub.s32 $0x0, s21;
	[sflag:s23] =	ssyncset.done $0x0  }
0xa4: {  	[sflag:s23] =	ssyncadd.s32 s8;
	_ =	sdelay $0x1  }
0xa5: {  	s24 =	simm.s32 $0x1B8B  }
0xa6: {  	_ =	swait.ge [sflag:s24], $0x1  }
0xa7: {  	[sflag:s24] =	ssyncset.done $0x0  }
0xa8: {  	s25 =	simm.s32 $0x1B8E;
	[sflag:s24] =	ssyncadd.s32 $0xFFFFFFFF  }
0xa9: {  	s26 =	simm.s32 $execute0_lowered;
	[smem:$0x3FD2] =	sst s25  }
0xaa: {  	s8 =	sshll.u32 s26, $0x1;
	_ =	strace $0x80000046;
	[dreg:$0x1] =	wrdreg $0xFFFFFFFF  }
0xab: {  	s28 =	simm.s32 $_size_execute0_lowered;
	s7 =	sadd.s32 s7, s8;
	[dreg:$0x0] =	wrdreg $0x0  }
0xac: {  	s8 =	sshll.u32 s28, $0x1;
	[dreg:$0x2] =	wrdreg s7  }
0xad: {  	[dreg:$0x3] =	wrdreg s8  }
0xae: {  	[dreg:$0x4] =	wrdreg $0xC0  }
0xaf: {  	_ =	task [dreg:s11], $0x5FFFF  }
0xb0: {  	[dreg:$0x1] =	wrdreg $0xFFFFFFFF  }
0xb1: {  	[dreg:$0x0] =	wrdreg $0x60  }
0xb2: {  	[dreg:$0x2] =	wrdreg s2  }
0xb3: {  	[dreg:$0x3] =	wrdreg s19  }
0xb4: {  	[dreg:$0x4] =	wrdreg s4  }
0xb5: {  	[dreg:$0x5] =	wrdreg s5  }
0xb6: {  	[dreg:$0x6] =	wrdreg s6  }
0xb7: {  	[dreg:$0x7] =	wrdreg $0x88000  }
0xb8: {  	[dreg:$0x8] =	wrdreg $0x9  }
0xb9: {  	_ =	task.clear_ibuf [dreg:s11], $0x9FFFF;
	_ =	strace $0x90000046  }
0xba: {  	s29 =	simm.s32 $0x9;
	_ =	strace $0x80000048  }
0xbb: {  	_ =	swait.ge [sflag:s29], $0x1  }
0xbc: {  	[sflag:s29] =	ssyncadd.s32 $0xFFFFFFFF  }
0xbd: {  	_ =	strace $0x90000048  }
0xbe: {  	_ =	sfence  }
0xbf: {  	s30 =	sld [smem:$0x0];
	_ =	sdelay $0x2  }
0xc0: {  	s31 =	sshll.u32 s1, $0xD;
	s1 =	sshrl.u32 s1, $0x2  }
0xc1: {  	s3 =	sand.u32 $0x4000, s31;
	s1 =	sadd.s32 s1, s30  }
0xc2: {  	s0 =	sor.u32 s3, s0;
	s1 =	sshll.u32 s1, $0x11  }
0xc3: {  	s0 =	sor.u32 s1, s0  }
0xc4: {  	s0 =	sadd.s32 $0x8F2B, s0  }
0xc5: {  	[sflag:s0] =	ssyncadd.remote.s32 $0x1  }
0xc6: {  	_ =	sfence.sel $0xFFFF  }
0xc7: {  	[dreg:$0x0] =	wrdreg $0xFFFFFFFF;
	(pc) =	sbr.abs _section_cstart, $3  }
0xc8: {  	[dreg:$0x1] =	wrdreg $0xFFFFFFFF  }
0xc9: {  	_ =	task.clear_ibuf [dreg:s11], $0x2FFFF;
	_ =	strace $0x9FFFFFFF  }
0xca: {  	(tm) =	ssettm $0x7FFFFFFF  }
0xcb: {  	_ =	shalt  }
tec
execute0_lowered:
.L_overlay_start_1:
0x0: {  	(tag) =	ssettag $0x1  }
0x1: {  	s0 =	rddreg [dreg:$0x0]  }
0x2: {  	s5 =	rddreg [dreg:$0x4]  }
0x3: {  	s6 =	rddreg [dreg:$0x5]  }
0x4: {  	s1 =	srdreg.scid;
	s2 =	stileid.u32;
	s7 =	simm.s32 $0x0  }
0x5: {  	s19 =	simm.s32 $0x1;
	s20 =	simm.s32 $0x600;
	s21 =	simm.s32 $0x40  }
0x6: {  	s22 =	simm.s32 $0x400;
	s23 =	simm.s32 $0x700;
	s24 =	simm.s32 $0x500  }
0x7: {  	s25 =	simm.s32 $0x440;
	s28 =	simm.s32 $0x540;
	s29 =	simm.s32 $0x2  }
0x8: {  	s30 =	simm.s32 $0x680;
	s31 =	simm.s32 $0x480;
	s15 =	simm.s32 $0x5C0  }
0x9: {  	s10 =	simm.s32 $0x0;
	s1 =	sand.u32 $0x1, s1;
	s3 =	sshll.u32 s2, $0x1  }
0xa: {  	[smem:$0x7FF] =	sst s7;
	p0 =	sne.s32 s2, $0x0;
	s2 =	simm.s32 $0x4C0  }
0xb: {  	s4 =	ssub.s32 $0x2, s1;
	s8 =	sor.u32 s1, s3;
	_ =	strace $0x80000047  }
0xc: {  	s26 =	sshrl.u32 s4, $0x1;
	s3 =	sshll.u32 s8, $0x6;
	s11 =	sor.u32 $0x40, s8  }
.Ltmp0:
0xd: {  	s12 =	sor.u32 $0x60, s8;
	s3 =	sadd.s32 s0, s3;
	(pc) =	sbr.rel .LBB2_1-.Ltmp0, $4  }
0xe: {  	s1 =	ssub.s32 s4, s26;
	[dreg:$0x7] =	wrdreg s3;
	s3 =	sadd.s32 $0x800, s3  }
0xf: {  	s26 =	simm.s32 $0x2700;
	s1 =	smax.u32 s1, $0x1;
	[dreg:$0x8] =	wrdreg s3  }
0x10: {  	s4 =	simm.s32 $0x6700;
	[dreg:$0x9] =	wrdreg s1;
	s1 =	sshrl.u32 @!p0 s6, $0x3  }
0x11: {  	s3 =	simm.s32 $0x4700;
	[dreg:$0xa] =	wrdreg s1;
	s1 =	simm.s32 $0x580  }
.LBB2_11:
0x12: {  	s7 =	simm.s32 $0x5  }
0x13: {  	_ =	swait.ge [sflag:s7], $0x4000  }
0x14: {  	[sflag:s7] =	ssyncset.done $0x0  }
0x15: {  	s9 =	simm.s32 $0x6;
	[sflag:s7] =	ssyncadd.s32 $0xFFFFC000  }
0x16: {  	_ =	swait.ge [sflag:s9], $0x4000  }
0x17: {  	s10 =	rddreg [dreg:$0xb]  }
0x18: {  	s18 =	rddreg [dreg:$0x9];
	s10 =	sadd.s32 $0x1, s10  }
0x19: {  	p1 =	sne.s32 s10, s18  }
.Ltmp1:
0x1a: {  	_ = 	snop;
	(pc) =	sbr.rel @!p1 .LBB2_12-.Ltmp1, $3  }
0x1b: {  	_ =	sdelay $0x1  }
0x1c: {  	[sflag:s9] =	ssyncset.done $0x0  }
0x1d: {  	[sflag:s9] =	ssyncadd.s32 $0xFFFFC000  }
.LBB2_1:
0x1e: {  	[dreg:$0xb] =	wrdreg s10  }
0x1f: {  	s9 =	rddreg [dreg:$0x1]  }
0x20: {  	s7 =	simm.s32 @!p0 $0x1C07;
	s10 =	rddreg [dreg:$0xa]  }
0x21: {  	[spmem:s10], [sflag:s7] =	dma.local @!p0 [hbm:s9], $0x27100  }
0x22: {  	s7 =	simm.s32 @!p0 $0x7  }
0x23: {  	_ =	swait.ge @!p0 [sflag:s7], $0x27100  }
0x24: {  	[sflag:s7] =	ssyncset.done @!p0 $0x0  }
0x25: {  	[sflag:s7] =	ssyncadd.s32 @!p0 $0xFFFD8F00  }
0x26: {  	s17 =	simm.s32 $0x8700;
	[bflag:$0x0] =	sbarrier.arrive $0xFFFF  }
0x27: {  	s18 =	simm.s32 $0x7;
	s9 =	simm.s32 $0x0;
	s16 =	rddreg [dreg:$0x2]  }
0x28: {  	[tilespmem:s17], [sflag:$0x7] =	stream.linear.gather [hbm4b:s16+s9], $0x80, $0x38;
	[tilespmem:$0x1C080] =	vst v63  }
0x29: {  	_ =	swait.ge [sflag:s18], $0x80  }
0x2a: {  	[sflag:s18] =	ssyncset.done $0x0  }
0x2b: {  	[sflag:s18] =	ssyncadd.s32 $0xFFFFFF80  }
0x2c: {  	s13 =	simm.s32 $0x8780;
	s14 =	rddreg [dreg:$0x3]  }
0x2d: {  	[tilespmem:s13], [sflag:$0x7] =	stream.linear.gather [hbm4b:s14+s9], $0x80, $0x38;
	[tilespmem:$0x1C080] =	vst v63  }
0x2e: {  	_ =	swait.ge [sflag:s18], $0x80  }
0x2f: {  	[sflag:s18] =	ssyncset.done $0x0  }
0x30: {  	[sflag:s18] =	ssyncadd.s32 $0xFFFFFF80  }
0x31: {  	v0 =	vld [tilespmem:$0x8700]  }
0x32: {  	v1 =	vld [tilespmem:$0x8710]  }
0x33: {  	v2 =	vld [tilespmem:$0x8720]  }
0x34: {  	v3 =	vld [tilespmem:$0x8730]  }
0x35: {  	v4 =	vld [tilespmem:$0x8740]  }
0x36: {  	v8 =	vld [tilespmem:$0x8780]  }
0x37: {  	v9 =	vld [tilespmem:$0x8790]  }
0x38: {  	v10 =	vld [tilespmem:$0x87A0]  }
0x39: {  	v11 =	vld [tilespmem:$0x87B0]  }
0x3a: {  	v12 =	vld [tilespmem:$0x87C0]  }
0x3b: {  	v13 =	vld [tilespmem:$0x87D0]  }
0x3c: {  	v14 =	vld [tilespmem:$0x87E0]  }
0x3d: {  	v15 =	vld [tilespmem:$0x87F0]  }
.Ltmp2:
0x3e: {  	v5 =	vld [tilespmem:$0x8750];
	(pc) =	sbr.rel .LBB2_2-.Ltmp2, $4  }
0x3f: {  	s16 =	rddreg [dreg:$0x7];
	v6 =	vld [tilespmem:$0x8760];
	v8 =	vadd.f32 v8, v8;
	v9 =	vadd.f32 v9, v9  }
0x40: {  	v7 =	vld [tilespmem:$0x8770];
	[tilespmem:s9], [sflag:$0x1] =	stream.linear.gather [hbm4b:s16+s9], $0x200, $0x38;
	v10 =	vadd.f32 v10, v10;
	v11 =	vadd.f32 v11, v11  }
0x41: {  	s13 =	simm.s32 $0x0;
	s17 =	rddreg [dreg:$0x8];
	s18 =	simm.s32 $0x200;
	v12 =	vadd.f32 v12, v12;
	v13 =	vadd.f32 v13, v13  }
0x42: {  	[tilespmem:s18], [sflag:$0x2] =	stream.linear.gather [hbm4b:s17+s9], $0x200, $0x38;
	v14 =	vadd.f32 v14, v14;
	v15 =	vadd.f32 v15, v15;
	[tilespmem:$0x1C080] =	vst v63  }
.LBB2_10:
0x43: {  	s7 =	sadd.s32 s11, s9  }
0x44: {  	p2 =	sgt.u32 s7, $0x9C3  }
0x45: {  	s7 =	sshll.u32 @!p2 s7, $0x6  }
0x46: {  	s10 =	simm.s32 @!p2 $0x0;
	s7 =	sadd.s32 @!p2 s0, s7  }
0x47: {  	[tilespmem:s10], [sflag:$0x1] =	stream.linear.gather @!p2 [hbm4b:s7+s10], $0x200, $0x38;
	[tilespmem:$0x1C080] =	vst v63  }
0x48: {  	s7 =	sadd.s32 s12, s9  }
0x49: {  	p2 =	sgt.u32 s7, $0x9C3  }
0x4a: {  	s7 =	sshll.u32 @!p2 s7, $0x6  }
0x4b: {  	s9 =	simm.s32 @!p2 $0x0;
	s10 =	simm.s32 @!p2 $0x200;
	s7 =	sadd.s32 @!p2 s0, s7  }
0x4c: {  	[tilespmem:s10], [sflag:$0x2] =	stream.linear.gather @!p2 [hbm4b:s7+s9], $0x200, $0x38;
	[tilespmem:$0x1C080] =	vst v63  }
0x4d: {  	s7 =	simm.s32 @!p1 $0x3  }
0x4e: {  	_ =	swait.ge @!p1 [sflag:s7], $0x2000  }
0x4f: {  	[sflag:s7] =	ssyncset.done @!p1 $0x0  }
0x50: {  	[sflag:s7] =	ssyncadd.s32 @!p1 $0xFFFFE000  }
0x51: {  	_ =	swait.ge @!p1 [sflag:s7], $0x2000  }
0x52: {  	[sflag:s7] =	ssyncset.done @!p1 $0x0  }
0x53: {  	[sflag:s7] =	ssyncadd.s32 @!p1 $0xFFFFE000  }
0x54: {  	_ =	swait.ge @!p1 [sflag:s7], $0x2000  }
0x55: {  	[sflag:s7] =	ssyncset.done @!p1 $0x0  }
0x56: {  	[sflag:s7] =	ssyncadd.s32 @!p1 $0xFFFFE000  }
0x57: {  	_ =	swait.ge @!p1 [sflag:s7], $0x2000  }
0x58: {  	[sflag:s7] =	ssyncset.done @!p1 $0x0  }
0x59: {  	p2 =	sgt.u32 @!p1 s17, $0x9C3;
	[sflag:s7] =	ssyncadd.s32 @!p1 $0xFFFFE000;
	s7 =	sshll.u32 @!p1 s14, $0xB  }
0x5a: {  	s9 =	simm.s32 @!p1 $0x0;
	s10 =	simm.s32 @!p1 $0x700;
	s7 =	sadd.s32 @!p1 s5, s7  }
0x5b: {  	[hbm4b:s7+s9] =	stream.linear.scatter @!p1 [tilespmem:s10], [sflag:$0x5], $0x4000, $0x38;
	[tilespmem:$0x1C080] =	vst v63  }
0x5c: {  	p1 =	por p2, p1  }
0x5d: {  	s7 =	simm.s32 @!p1 $0x4  }
0x5e: {  	_ =	swait.ge @!p1 [sflag:s7], $0x2000  }
0x5f: {  	[sflag:s7] =	ssyncset.done @!p1 $0x0  }
0x60: {  	[sflag:s7] =	ssyncadd.s32 @!p1 $0xFFFFE000  }
0x61: {  	_ =	swait.ge @!p1 [sflag:s7], $0x2000  }
0x62: {  	[sflag:s7] =	ssyncset.done @!p1 $0x0  }
0x63: {  	[sflag:s7] =	ssyncadd.s32 @!p1 $0xFFFFE000  }
0x64: {  	_ =	swait.ge @!p1 [sflag:s7], $0x2000  }
0x65: {  	[sflag:s7] =	ssyncset.done @!p1 $0x0  }
0x66: {  	[sflag:s7] =	ssyncadd.s32 @!p1 $0xFFFFE000  }
0x67: {  	_ =	swait.ge @!p1 [sflag:s7], $0x2000  }
0x68: {  	[sflag:s7] =	ssyncset.done @!p1 $0x0  }
0x69: {  	s13 =	sadd.s32 $0x1, s13;
	[sflag:s7] =	ssyncadd.s32 @!p1 $0xFFFFE000;
	s7 =	sshll.u32 @!p1 s17, $0xB  }
0x6a: {  	s9 =	simm.s32 @!p1 $0x0;
	s10 =	simm.s32 @!p1 $0x4700;
	s7 =	sadd.s32 @!p1 s5, s7  }
0x6b: {  	[hbm4b:s7+s9] =	stream.linear.scatter @!p1 [tilespmem:s10], [sflag:$0x6], $0x4000, $0x38;
	[tilespmem:$0x1C080] =	vst v63  }
0x6c: {  	p1 =	sne.s32 s13, $0x28  }
.Ltmp3:
0x6d: {  	_ = 	snop;
	(pc) =	sbr.rel @!p1 .LBB2_11-.Ltmp3, $1  }
0x6e: {  	_ =	sdelay $0x3  }
.LBB2_2:
0x6f: {  	s9 =	sshll.u32 s13, $0x6  }
0x70: {  	s14 =	sor.u32 s8, s9  }
0x71: {  	p1 =	sgt.u32 s14, $0x9C3  }
.Ltmp4:
0x72: {  	_ = 	snop;
	(pc) =	sbr.rel @p1 .LBB2_6-.Ltmp4, $1  }
0x73: {  	_ =	sdelay $0x3  }
0x74: {  	_ =	swait.ge [sflag:s19], $0x200  }
0x75: {  	[sflag:s19] =	ssyncset.done $0x0  }
0x76: {  	[sflag:s19] =	ssyncadd.s32 $0xFFFFFE00  }
0x77: {  	v16 =	vld [tilespmem:$0x0]  }
0x78: {  	v17 =	vld [tilespmem:$0x80]  }
0x79: {  	v18 =	vld [tilespmem:$0x100]  }
0x7a: {  	v19 =	vld [tilespmem:$0x180]  }
0x7b: {  	v20 =	vld [tilespmem:$0x10]  }
0x7c: {  	v21 =	vld [tilespmem:$0x90]  }
0x7d: {  	v22 =	vld [tilespmem:$0x110]  }
0x7e: {  	v23 =	vld [tilespmem:$0x190]  }
0x7f: {  	v24 =	vld [tilespmem:$0x20]  }
0x80: {  	v25 =	vld [tilespmem:$0xA0]  }
0x81: {  	v26 =	vld [tilespmem:$0x120]  }
0x82: {  	v27 =	vld [tilespmem:$0x1A0]  }
0x83: {  	v28 =	vld [tilespmem:$0x30]  }
0x84: {  	v60 =	vld [tilespmem:$0x50];
	v18 =	vadd.s32 v18, v19  }
0x85: {  	v61 =	vld [tilespmem:$0xD0];
	[tilespmem:$0x400] =	vst v16;
	v16 =	vcvt.s32.f32 v18  }
0x86: {  	v19 =	vld [tilespmem:$0xB0];
	[tilespmem:$0x500] =	vst v17  }
0x87: {  	v17 =	vld [tilespmem:$0x1B0];
	[tilespmem:$0x600] =	vst v16;
	v16 =	vadd.s32 v22, v23  }
0x88: {  	[tilespmem:$0x410] =	vst v20;
	v18 =	vld [tilespmem:$0x130];
	v16 =	vcvt.s32.f32 v16  }
0x89: {  	[tilespmem:$0x510] =	vst v21;
	v21 =	vld [tilespmem:$0x140]  }
0x8a: {  	v22 =	vld [tilespmem:$0x40];
	[tilespmem:$0x610] =	vst v16;
	v16 =	vadd.s32 v26, v27  }
0x8b: {  	[tilespmem:$0x420] =	vst v24;
	v23 =	vld [tilespmem:$0x1C0];
	v16 =	vcvt.s32.f32 v16  }
0x8c: {  	v20 =	vld [tilespmem:$0xC0];
	[tilespmem:$0x520] =	vst v25  }
0x8d: {  	[tilespmem:$0x620] =	vst v16;
	v16 =	vadd.s32 v18, v17;
	v17 =	vld [tilespmem:$0x150]  }
0x8e: {  	[tilespmem:$0x530] =	vst v19;
	v18 =	vld [tilespmem:$0x1D0];
	v16 =	vcvt.s32.f32 v16  }
0x8f: {  	v19 =	vld [tilespmem:$0x60];
	[tilespmem:$0x440] =	vst v22  }
0x90: {  	v22 =	vld [tilespmem:$0x1E0];
	[tilespmem:$0x630] =	vst v16;
	v16 =	vadd.s32 v21, v23  }
0x91: {  	[tilespmem:$0x430] =	vst v28;
	v21 =	vld [tilespmem:$0x160];
	v16 =	vcvt.s32.f32 v16  }
0x92: {  	[tilespmem:$0x540] =	vst v20;
	v20 =	vld [tilespmem:$0xE0]  }
0x93: {  	[tilespmem:$0x640] =	vst v16;
	v16 =	vadd.s32 v17, v18;
	v17 =	vld [tilespmem:$0x170]  }
0x94: {  	[tilespmem:$0x450] =	vst v60;
	v18 =	vld [tilespmem:$0x1F0];
	v16 =	vcvt.s32.f32 v16  }
0x95: {  	[tilespmem:$0x550] =	vst v61;
	v23 =	vld [tilespmem:$0x70]  }
0x96: {  	[tilespmem:$0x650] =	vst v16;
	v16 =	vadd.s32 v21, v22;
	v21 =	vld [tilespmem:$0xF0]  }
0x97: {  	s7 =	simm.s32 $0x2;
	[tilespmem:$0x460] =	vst v19;
	v16 =	vcvt.s32.f32 v16  }
0x98: {  	s10 =	simm.s32 $0x1;
	[tilespmem:$0x560] =	vst v20;
	v19 =	vmov s7  }
0x99: {  	[tilespmem:$0x660] =	vst v16;
	v16 =	vadd.s32 v17, v18;
	v17 =	vmov s10;
	v18 =	vand.u32 $0xFFFFFFFE, v19  }
0x9a: {  	[tilespmem:$0x470] =	vst v23;
	v16 =	vcvt.s32.f32 v16;
	v17 =	vand.u32 $0xFFFFFFFD, v17;
	v18 =	vbroadcast v18, $0x0  }
0x9b: {  	p2 =	seq.s32 s13, $0x0;
	[tilespmem:$0x570] =	vst v21;
	v17 =	vbroadcast v17, $0x0  }
0x9c: {  	s7 =	simm.s32 @!p2 $0x5;
	[tilespmem:$0x670] =	vst v16  }
0x9d: {  	_ =	swait.ge @!p2 [sflag:s7], $0x4000  }
0x9e: {  	[sflag:s7] =	ssyncset.done @!p2 $0x0  }
0x9f: {  	[sflag:s7] =	ssyncadd.s32 @!p2 $0xFFFFC000  }
0xa0: {  	v18 =	vld.idx.msk [tilespmem:v18+s20+$0x0], $0xffff  }
0xa1: {  	v16 =	vld.idx.msk [tilespmem:v17+s20+$0x0], $0xffff;
	_ =	sdelay $0x3  }
0xa2: {  	v17 =	vmul.f32 v18, v7  }
0xa3: {  	v19 =	vmul.f32 v16, v0  }
0xa4: {  	s10 =	simm.s32 $0x0;
	v20 =	vmul.f32 v16, v1;
	v21 =	vmul.f32 v16, v2;
	v17 =	vadd.f32 v17, v15  }
0xa5: {  	s17 =	simm.s32 $0x800;
	v22 =	vmov s10;
	v23 =	vmul.f32 v16, v3;
	v19 =	vadd.f32 v19, v8  }
0xa6: {  	v20 =	vadd.f32 v20, v9;
	v21 =	vadd.f32 v21, v10;
	[tilespmem:s17+$0x70] =	vst v17;
	v17 =	vand.u32 $0xFFFFFFFC, v22  }
0xa7: {  	v22 =	vadd.f32 v23, v11;
	v23 =	vmul.f32 v18, v2;
	[tilespmem:s17+$0xFFFFFF80] =	vst v19;
	v17 =	vbroadcast v17, $0x0  }
0xa8: {  	v19 =	vmul.f32 v16, v4;
	[tilespmem:s17+$0xFFFFFF90] =	vst v20  }
0xa9: {  	v20 =	vmul.f32 v16, v5;
	[tilespmem:s17+$0xFFFFFFA0] =	vst v21;
	v23 =	vadd.f32 v23, v10  }
0xaa: {  	v21 =	vmul.f32 v16, v6;
	[tilespmem:s17+$0xFFFFFFB0] =	vst v22;
	v19 =	vadd.f32 v19, v12  }
0xab: {  	v16 =	vmul.f32 v16, v7;
	v20 =	vadd.f32 v20, v13;
	[tilespmem:s17+$0x20] =	vst v23  }
0xac: {  	v22 =	vmul.f32 v18, v0;
	[tilespmem:s17+$0xFFFFFFC0] =	vst v19;
	v19 =	vadd.f32 v21, v14  }
0xad: {  	s16 =	simm.s32 $0x3;
	v21 =	vmul.f32 v18, v1;
	[tilespmem:s17+$0xFFFFFFD0] =	vst v20;
	v20 =	vadd.f32 v16, v15;
	v16 =	vld.idx.msk [tilespmem:v17+s20+$0x0], $0xffff  }
0xae: {  	v22 =	vadd.f32 v22, v8;
	[tilespmem:s17+$0xFFFFFFE0] =	vst v19;
	v19 =	vmul.f32 v18, v3;
	v17 =	vmov s16  }
0xaf: {  	s18 =	simm.s32 $0x5;
	v62 =	vmul.f32 v18, v5;
	v21 =	vadd.f32 v21, v9;
	[tilespmem:s17+$0xFFFFFFF0] =	vst v20;
	v20 =	vmul.f32 v18, v4  }
0xb0: {  	[tilespmem:s17+$0x0] =	vst v22;
	v18 =	vmul.f32 v18, v6;
	v22 =	vadd.f32 v19, v11;
	v19 =	vmov s18  }
0xb1: {  	[tilespmem:s17+$0x10] =	vst v21;
	v63 =	vadd.f32 v20, v12;
	v20 =	vadd.f32 v62, v13;
	v21 =	vand.u32 $0xFFFFFFFD, v19  }
0xb2: {  	v19 =	vadd.f32 v18, v14;
	v18 =	vbroadcast v21, $0x0;
	[tilespmem:s17+$0x30] =	vst v22;
	v22 =	vmul.f32 v16, v0  }
0xb3: {  	s7 =	simm.s32 $0x8;
	s16 =	simm.s32 $0x6;
	s18 =	simm.s32 $0x4;
	[tilespmem:s17+$0x40] =	vst v63;
	v21 =	vmul.f32 v16, v1;
	v17 =	vld.idx.msk [tilespmem:v17+s20+$0x0], $0xffff  }
.LBB2_4:
0xb4: {  	p2 =	slt.u32 s7, $0x7C;
	v23 =	vmov s16;
	v22 =	vadd.f32 v22, v8;
	v24 =	vmul.f32 v16, v2;
	[tilespmem:s17+$0x50] =	vst v20  }
0xb5: {  	v20 =	vand.u32 $0xFFFFFFFE, v23;
	v21 =	vadd.f32 v21, v9;
	v23 =	vmul.f32 v16, v3;
	[tilespmem:s17+$0x60] =	vst v19  }
0xb6: {  	v19 =	vbroadcast v20, $0x0;
	[tilespmem:s17+$0xFFFFFF00] =	vst v22;
	v20 =	vadd.f32 v24, v10;
	v22 =	vmul.f32 v16, v4  }
0xb7: {  	[tilespmem:s17+$0xFFFFFF10] =	vst v21;
	v21 =	vadd.f32 v23, v11;
	v23 =	vmul.f32 v16, v5  }
0xb8: {  	v24 =	vmov s18;
	v18 =	vld.idx.msk [tilespmem:v18+s20+$0x0], $0xffff;
	[tilespmem:s17+$0xFFFFFF20] =	vst v20;
	v20 =	vadd.f32 v22, v12;
	v22 =	vmul.f32 v16, v6  }
0xb9: {  	v16 =	vmul.f32 v16, v7;
	[tilespmem:s17+$0xFFFFFF30] =	vst v21;
	v21 =	vadd.f32 v23, v13;
	v23 =	vmul.f32 v17, v0  }
0xba: {  	v25 =	vmul.f32 v17, v2;
	[tilespmem:s17+$0xFFFFFF40] =	vst v20;
	v20 =	vadd.f32 v22, v14;
	v22 =	vmul.f32 v17, v1  }
0xbb: {  	v26 =	vmul.f32 v17, v4;
	v16 =	vadd.f32 v16, v15;
	[tilespmem:s17+$0xFFFFFF50] =	vst v21;
	v21 =	vmul.f32 v17, v3  }
0xbc: {  	v24 =	vand.u32 $0xFFFFFFFC, v24;
	v19 =	vld.idx.msk [tilespmem:v19+s20+$0x0], $0xffff;
	[tilespmem:s17+$0xFFFFFF60] =	vst v20;
	v20 =	vadd.f32 v23, v8;
	v23 =	vmul.f32 v17, v5  }
0xbd: {  	[tilespmem:s17+$0xFFFFFF70] =	vst v16;
	v16 =	vadd.f32 v22, v9;
	v22 =	vadd.f32 v25, v10;
	v25 =	vmul.f32 v17, v6  }
0xbe: {  	v17 =	vmul.f32 v17, v7;
	[tilespmem:s17+$0x80] =	vst v20;
	v20 =	vadd.f32 v21, v11;
	v21 =	vadd.f32 v26, v12  }
0xbf: {  	v27 =	vmul.f32 v18, v1;
	v26 =	vmul.f32 v18, v0;
	[tilespmem:s17+$0x90] =	vst v16;
	v16 =	vadd.f32 v23, v13  }
0xc0: {  	v23 =	vmul.f32 v18, v2;
	v17 =	vadd.f32 v17, v15;
	[tilespmem:s17+$0xA0] =	vst v22;
	v22 =	vadd.f32 v25, v14  }
0xc1: {  	v25 =	vadd.f32 v26, v8;
	v26 =	vadd.f32 v27, v9;
	v27 =	vmul.f32 v18, v3;
	[tilespmem:s17+$0xB0] =	vst v20  }
0xc2: {  	v23 =	vadd.f32 v23, v10;
	v20 =	vmul.f32 v19, v0;
	v28 =	vmul.f32 v19, v7;
	[tilespmem:s17+$0xC0] =	vst v21  }
0xc3: {  	v29 =	vmul.f32 v19, v2;
	v21 =	vadd.f32 v27, v11;
	v27 =	vmul.f32 v19, v1;
	[tilespmem:s17+$0xD0] =	vst v16  }
0xc4: {  	v30 =	vmul.f32 v19, v4;
	v16 =	vmul.f32 v19, v3;
	v28 =	vadd.f32 v28, v15;
	[tilespmem:s17+$0xE0] =	vst v22  }
0xc5: {  	v22 =	vadd.f32 v20, v8;
	v20 =	vmul.f32 v19, v5;
	v19 =	vmul.f32 v19, v6;
	[tilespmem:s17+$0xF0] =	vst v17;
	s17 =	sadd.s32 $0x200, s17  }
0xc6: {  	v17 =	vbroadcast v24, $0x0;
	v24 =	vadd.f32 v27, v9;
	v27 =	vadd.f32 v29, v10;
	[tilespmem:s17+$0x70] =	vst v28  }
0xc7: {  	v29 =	vadd.f32 v30, v12;
	v28 =	vadd.f32 v16, v11;
	[tilespmem:s17+$0xFFFFFF80] =	vst v25;
	v25 =	vmul.f32 v18, v4  }
0xc8: {  	v16 =	vmul.f32 v18, v5;
	v20 =	vadd.f32 v20, v13;
	v19 =	vadd.f32 v19, v14;
	[tilespmem:s17+$0xFFFFFF90] =	vst v26  }
0xc9: {  	[tilespmem:s17+$0xFFFFFFA0] =	vst v23;
	v23 =	vadd.f32 v25, v12;
	v25 =	vmul.f32 v18, v6  }
0xca: {  	v18 =	vmul.f32 v18, v7;
	[tilespmem:s17+$0xFFFFFFB0] =	vst v21;
	v21 =	vadd.f32 v16, v13  }
0xcb: {  	[tilespmem:s17+$0xFFFFFFC0] =	vst v23;
	v23 =	vadd.f32 v25, v14  }
0xcc: {  	v16 =	vld.idx.msk [tilespmem:v17+s20+$0x0], $0xffff;
	[tilespmem:s17+$0xFFFFFFD0] =	vst v21;
	v17 =	vadd.f32 v18, v15  }
0xcd: {  	s10 =	sadd.s32 $0x3, s18;
	s18 =	smov.u32 s7;
	[tilespmem:s17+$0xFFFFFFE0] =	vst v23  }
0xce: {  	[tilespmem:s17+$0xFFFFFFF0] =	vst v17;
	v17 =	vmov s10  }
.Ltmp5:
0xcf: {  	s10 =	sadd.s32 $0x1, s7;
	[tilespmem:s17+$0x0] =	vst v22;
	(pc) =	sbr.rel @p2 .LBB2_4-.Ltmp5, $4  }
0xd0: {  	v18 =	vmov s10;
	[tilespmem:s17+$0x10] =	vst v24  }
0xd1: {  	v18 =	vand.u32 $0xFFFFFFFD, v18;
	[tilespmem:s17+$0x20] =	vst v27  }
0xd2: {  	v18 =	vbroadcast v18, $0x0;
	v22 =	vmul.f32 v16, v0;
	[tilespmem:s17+$0x30] =	vst v28  }
0xd3: {  	s16 =	sadd.s32 $0x2, s18;
	s7 =	sadd.s32 $0x4, s7;
	v21 =	vmul.f32 v16, v1;
	[tilespmem:s17+$0x40] =	vst v29;
	v17 =	vld.idx.msk [tilespmem:v17+s20+$0x0], $0xffff  }
0xd4: {  	v22 =	vadd.f32 v22, v8;
	v23 =	vmul.f32 v16, v2;
	[tilespmem:s17+$0x50] =	vst v20  }
0xd5: {  	v24 =	vmul.f32 v16, v3;
	[tilespmem:s17+$0x60] =	vst v19;
	v21 =	vadd.f32 v21, v9  }
0xd6: {  	v58 =	vmul.f32 v16, v4;
	[tilespmem:s17+$0xFFFFFF00] =	vst v22;
	v57 =	vadd.f32 v23, v10  }
0xd7: {  	v60 =	vmul.f32 v16, v5;
	v59 =	vadd.f32 v24, v11;
	[tilespmem:s17+$0xFFFFFF10] =	vst v21  }
0xd8: {  	v62 =	vmul.f32 v16, v6;
	v61 =	vadd.f32 v58, v12;
	[tilespmem:s17+$0xFFFFFF20] =	vst v57  }
0xd9: {  	v16 =	vmul.f32 v16, v7;
	v63 =	vadd.f32 v60, v13;
	[tilespmem:s17+$0xFFFFFF30] =	vst v59  }
0xda: {  	v25 =	vadd.f32 v62, v14;
	v24 =	vmul.f32 v17, v0;
	[tilespmem:s17+$0xFFFFFF40] =	vst v61  }
0xdb: {  	v55 =	vmov s16;
	v18 =	vld.idx.msk [tilespmem:v18+s20+$0x0], $0xffff;
	v16 =	vadd.f32 v16, v15;
	v26 =	vmul.f32 v17, v1;
	[tilespmem:s17+$0xFFFFFF50] =	vst v63  }
0xdc: {  	v56 =	vand.u32 $0xFFFFFFFE, v55;
	v27 =	vmul.f32 v17, v2;
	[tilespmem:s17+$0xFFFFFF60] =	vst v25;
	v28 =	vadd.f32 v24, v8  }
0xdd: {  	v19 =	vbroadcast v56, $0x0;
	v29 =	vmul.f32 v17, v3;
	[tilespmem:s17+$0xFFFFFF70] =	vst v16;
	v16 =	vadd.f32 v26, v9  }
0xde: {  	v30 =	vmul.f32 v17, v4;
	v21 =	vadd.f32 v27, v10;
	[tilespmem:s17+$0x80] =	vst v28  }
0xdf: {  	v31 =	vmul.f32 v17, v5;
	v23 =	vadd.f32 v29, v11;
	[tilespmem:s17+$0x90] =	vst v16  }
0xe0: {  	v35 =	vmul.f32 v18, v2;
	v22 =	vadd.f32 v30, v12;
	[tilespmem:s17+$0xA0] =	vst v21  }
0xe1: {  	v38 =	vmul.f32 v18, v4;
	v20 =	vadd.f32 v31, v13;
	[tilespmem:s17+$0xB0] =	vst v23  }
0xe2: {  	v40 =	vmul.f32 v18, v6;
	v37 =	vadd.f32 v35, v10;
	[tilespmem:s17+$0xC0] =	vst v22  }
0xe3: {  	s7 =	sadd.s32 $0x200, s17;
	v33 =	vmul.f32 v18, v0;
	v39 =	vadd.f32 v38, v12;
	v19 =	vld.idx.msk [tilespmem:v19+s20+$0x0], $0xffff;
	[tilespmem:s17+$0xD0] =	vst v20  }
0xe4: {  	v42 =	vadd.f32 v40, v14;
	v16 =	vmul.f32 v17, v6;
	[tilespmem:s7+$0xFFFFFFA0] =	vst v37  }
0xe5: {  	s10 =	sadd.s32 $0x3, s18;
	v17 =	vmul.f32 v17, v7;
	v22 =	vadd.f32 v33, v8;
	[tilespmem:s7+$0xFFFFFFC0] =	vst v39  }
0xe6: {  	v47 =	vmov s10;
	v36 =	vmul.f32 v18, v3;
	[tilespmem:s7+$0xFFFFFFE0] =	vst v42;
	v16 =	vadd.f32 v16, v14  }
0xe7: {  	v34 =	vmul.f32 v18, v1;
	v17 =	vadd.f32 v17, v15;
	[tilespmem:s7+$0xFFFFFF80] =	vst v22  }
0xe8: {  	v20 =	vadd.f32 v36, v11;
	[tilespmem:s17+$0xE0] =	vst v16;
	v16 =	vmov s18;
	v32 =	vmul.f32 v19, v7  }
0xe9: {  	[tilespmem:s17+$0xF0] =	vst v17;
	v17 =	vadd.f32 v34, v9;
	v16 =	vand.u32 $0xFFFFFFFC, v16;
	v41 =	vmul.f32 v19, v0  }
0xea: {  	[tilespmem:s7+$0xFFFFFFB0] =	vst v20;
	v43 =	vmul.f32 v19, v1;
	v16 =	vbroadcast v16, $0x0;
	v21 =	vadd.f32 v32, v15  }
0xeb: {  	v52 =	vld.idx.msk [tilespmem:v47+s20+$0x0], $0xffff;
	[tilespmem:s7+$0xFFFFFF90] =	vst v17;
	v17 =	vmul.f32 v18, v5;
	v20 =	vadd.f32 v41, v8  }
0xec: {  	v46 =	vmul.f32 v19, v5;
	v22 =	vadd.f32 v43, v9;
	[tilespmem:s7+$0x70] =	vst v21  }
0xed: {  	v18 =	vmul.f32 v18, v7;
	v17 =	vadd.f32 v17, v13;
	[tilespmem:s7+$0x0] =	vst v20  }
0xee: {  	v45 =	vmul.f32 v19, v3;
	v48 =	vadd.f32 v46, v13;
	[tilespmem:s7+$0x10] =	vst v22  }
0xef: {  	v44 =	vmul.f32 v19, v2;
	[tilespmem:s7+$0xFFFFFFD0] =	vst v17;
	v17 =	vadd.f32 v18, v15  }
0xf0: {  	v61 =	vmul.f32 v52, v2;
	v21 =	vadd.f32 v45, v11;
	[tilespmem:s7+$0x50] =	vst v48;
	v16 =	vld.idx.msk [tilespmem:v16+s20+$0x0], $0xffff  }
0xf1: {  	v18 =	vadd.f32 v44, v10;
	[tilespmem:s7+$0xFFFFFFF0] =	vst v17;
	v17 =	vmul.f32 v19, v4  }
0xf2: {  	v20 =	vadd.f32 v61, v10;
	[tilespmem:s7+$0x30] =	vst v21;
	v19 =	vmul.f32 v19, v6  }
0xf3: {  	[tilespmem:s7+$0x20] =	vst v18;
	v18 =	vmul.f32 v52, v7;
	v17 =	vadd.f32 v17, v12  }
0xf4: {  	v63 =	vmul.f32 v52, v4;
	[tilespmem:s7+$0xA0] =	vst v20;
	v19 =	vadd.f32 v19, v14  }
0xf5: {  	v18 =	vadd.f32 v18, v15;
	[tilespmem:s7+$0x40] =	vst v17;
	v49 =	vmul.f32 v16, v0  }
0xf6: {  	[tilespmem:s7+$0x60] =	vst v19;
	v19 =	vadd.f32 v63, v12;
	v50 =	vmul.f32 v16, v1  }
0xf7: {  	[tilespmem:s7+$0xF0] =	vst v18;
	v51 =	vmul.f32 v16, v2;
	v17 =	vadd.f32 v49, v8  }
0xf8: {  	v53 =	vmul.f32 v16, v3;
	[tilespmem:s7+$0xC0] =	vst v19;
	v21 =	vadd.f32 v50, v9  }
0xf9: {  	v54 =	vmul.f32 v16, v4;
	v56 =	vmul.f32 v16, v5;
	[tilespmem:s7+$0xFFFFFF00] =	vst v17;
	v17 =	vadd.f32 v51, v10  }
0xfa: {  	v57 =	vmul.f32 v16, v6;
	v16 =	vmul.f32 v16, v7;
	v55 =	vadd.f32 v53, v11;
	[tilespmem:s7+$0xFFFFFF10] =	vst v21  }
0xfb: {  	[tilespmem:s7+$0xFFFFFF20] =	vst v17;
	v17 =	vadd.f32 v54, v12  }
0xfc: {  	v60 =	vmul.f32 v52, v1;
	v16 =	vadd.f32 v16, v15;
	[tilespmem:s7+$0xFFFFFF30] =	vst v55  }
0xfd: {  	v59 =	vmul.f32 v52, v0;
	[tilespmem:s7+$0xFFFFFF40] =	vst v17;
	v17 =	vadd.f32 v57, v14  }
0xfe: {  	[tilespmem:s7+$0xFFFFFF70] =	vst v16;
	v16 =	vadd.f32 v60, v9  }
0xff: {  	v62 =	vmul.f32 v52, v3;
	[tilespmem:s7+$0xFFFFFF60] =	vst v17;
	v17 =	vadd.f32 v59, v8  }
0x100: {  	v58 =	vadd.f32 v56, v13;
	[tilespmem:s7+$0x90] =	vst v16;
	v16 =	vmul.f32 v52, v6  }
0x101: {  	v21 =	vadd.f32 v62, v11;
	[tilespmem:s7+$0x80] =	vst v17;
	v17 =	vmul.f32 v52, v5  }
0x102: {  	[tilespmem:s7+$0xFFFFFF50] =	vst v58;
	v16 =	vadd.f32 v16, v14  }
0x103: {  	[tilespmem:s7+$0xB0] =	vst v21;
	v17 =	vadd.f32 v17, v13  }
0x104: {  	[tilespmem:s7+$0xE0] =	vst v16  }
0x105: {  	[tilespmem:s7+$0xD0] =	vst v17  }
0x106: {  	[tilespmem:s23], [sflag:$0x3] =	stream.indirect.gather.add.f32 [spmem:s6], $0x80, s22, s21, $0xb8;
	[tilespmem:$0x1C080] =	vst v63  }
0x107: {  	_ = 	snop  }
0x108: {  	[tilespmem:s23], [sflag:$0x3] =	stream.indirect.gather.add.f32 [spmem:s6], $0x80, s24, s21, $0xb8;
	[tilespmem:$0x1C080] =	vst v63  }
0x109: {  	_ = 	snop  }
0x10a: {  	[tilespmem:s26], [sflag:$0x3] =	stream.indirect.gather.add.f32 [spmem:s6], $0x80, s25, s21, $0xb8;
	[tilespmem:$0x1C080] =	vst v63  }
0x10b: {  	_ = 	snop  }
0x10c: {  	[tilespmem:s26], [sflag:$0x3] =	stream.indirect.gather.add.f32 [spmem:s6], $0x80, s28, s21, $0xb8;
	[tilespmem:$0x1C080] =	vst v63  }
.LBB2_6:
0x10d: {  	s17 =	sor.u32 $0x20, s14  }
0x10e: {  	p2 =	sgt.u32 s17, $0x9C3  }
.Ltmp6:
0x10f: {  	_ = 	snop;
	(pc) =	sbr.rel @p2 .LBB2_10-.Ltmp6, $1  }
0x110: {  	_ =	sdelay $0x3  }
0x111: {  	_ =	swait.ge [sflag:s29], $0x200  }
0x112: {  	[sflag:s29] =	ssyncset.done $0x0  }
0x113: {  	[sflag:s29] =	ssyncadd.s32 $0xFFFFFE00  }
0x114: {  	v16 =	vld [tilespmem:$0x200]  }
0x115: {  	v17 =	vld [tilespmem:$0x280]  }
0x116: {  	v18 =	vld [tilespmem:$0x300]  }
0x117: {  	v19 =	vld [tilespmem:$0x380]  }
0x118: {  	v20 =	vld [tilespmem:$0x210]  }
0x119: {  	v21 =	vld [tilespmem:$0x290]  }
0x11a: {  	v22 =	vld [tilespmem:$0x310]  }
0x11b: {  	v23 =	vld [tilespmem:$0x390]  }
0x11c: {  	v24 =	vld [tilespmem:$0x220]  }
0x11d: {  	v25 =	vld [tilespmem:$0x2A0]  }
0x11e: {  	v26 =	vld [tilespmem:$0x320]  }
0x11f: {  	v27 =	vld [tilespmem:$0x3A0]  }
0x120: {  	v28 =	vld [tilespmem:$0x230]  }
0x121: {  	v60 =	vld [tilespmem:$0x250];
	v18 =	vadd.s32 v18, v19  }
0x122: {  	v61 =	vld [tilespmem:$0x2D0];
	[tilespmem:$0x480] =	vst v16;
	v16 =	vcvt.s32.f32 v18  }
0x123: {  	v19 =	vld [tilespmem:$0x2B0];
	[tilespmem:$0x580] =	vst v17  }
0x124: {  	v17 =	vld [tilespmem:$0x3B0];
	[tilespmem:$0x680] =	vst v16;
	v16 =	vadd.s32 v22, v23  }
0x125: {  	[tilespmem:$0x490] =	vst v20;
	v18 =	vld [tilespmem:$0x330];
	v16 =	vcvt.s32.f32 v16  }
0x126: {  	[tilespmem:$0x590] =	vst v21;
	v21 =	vld [tilespmem:$0x340]  }
0x127: {  	v22 =	vld [tilespmem:$0x240];
	[tilespmem:$0x690] =	vst v16;
	v16 =	vadd.s32 v26, v27  }
0x128: {  	[tilespmem:$0x4A0] =	vst v24;
	v23 =	vld [tilespmem:$0x3C0];
	v16 =	vcvt.s32.f32 v16  }
0x129: {  	v20 =	vld [tilespmem:$0x2C0];
	[tilespmem:$0x5A0] =	vst v25  }
0x12a: {  	[tilespmem:$0x6A0] =	vst v16;
	v16 =	vadd.s32 v18, v17;
	v17 =	vld [tilespmem:$0x350]  }
0x12b: {  	[tilespmem:$0x5B0] =	vst v19;
	v18 =	vld [tilespmem:$0x3D0];
	v16 =	vcvt.s32.f32 v16  }
0x12c: {  	v19 =	vld [tilespmem:$0x260];
	[tilespmem:$0x4C0] =	vst v22  }
0x12d: {  	v22 =	vld [tilespmem:$0x3E0];
	[tilespmem:$0x6B0] =	vst v16;
	v16 =	vadd.s32 v21, v23  }
0x12e: {  	[tilespmem:$0x4B0] =	vst v28;
	v21 =	vld [tilespmem:$0x360];
	v16 =	vcvt.s32.f32 v16  }
0x12f: {  	[tilespmem:$0x5C0] =	vst v20;
	v20 =	vld [tilespmem:$0x2E0]  }
0x130: {  	[tilespmem:$0x6C0] =	vst v16;
	v16 =	vadd.s32 v17, v18;
	v17 =	vld [tilespmem:$0x370]  }
0x131: {  	[tilespmem:$0x4D0] =	vst v60;
	v18 =	vld [tilespmem:$0x3F0];
	v16 =	vcvt.s32.f32 v16  }
0x132: {  	[tilespmem:$0x5D0] =	vst v61;
	v23 =	vld [tilespmem:$0x270]  }
0x133: {  	[tilespmem:$0x6D0] =	vst v16;
	v16 =	vadd.s32 v21, v22;
	v21 =	vld [tilespmem:$0x2F0]  }
0x134: {  	s7 =	simm.s32 $0x2;
	[tilespmem:$0x4E0] =	vst v19;
	v16 =	vcvt.s32.f32 v16  }
0x135: {  	s10 =	simm.s32 $0x1;
	[tilespmem:$0x5E0] =	vst v20;
	v19 =	vmov s7  }
0x136: {  	[tilespmem:$0x6E0] =	vst v16;
	v16 =	vadd.s32 v17, v18;
	v17 =	vmov s10;
	v18 =	vand.u32 $0xFFFFFFFE, v19  }
0x137: {  	[tilespmem:$0x4F0] =	vst v23;
	v16 =	vcvt.s32.f32 v16;
	v17 =	vand.u32 $0xFFFFFFFD, v17;
	v18 =	vbroadcast v18, $0x0  }
0x138: {  	p2 =	seq.s32 s13, $0x0;
	[tilespmem:$0x5F0] =	vst v21;
	v17 =	vbroadcast v17, $0x0  }
0x139: {  	s7 =	simm.s32 @!p2 $0x6;
	[tilespmem:$0x6F0] =	vst v16  }
0x13a: {  	_ =	swait.ge @!p2 [sflag:s7], $0x4000  }
0x13b: {  	[sflag:s7] =	ssyncset.done @!p2 $0x0  }
0x13c: {  	[sflag:s7] =	ssyncadd.s32 @!p2 $0xFFFFC000  }
0x13d: {  	v18 =	vld.idx.msk [tilespmem:v18+s30+$0x0], $0xffff  }
0x13e: {  	v16 =	vld.idx.msk [tilespmem:v17+s30+$0x0], $0xffff;
	_ =	sdelay $0x3  }
0x13f: {  	v17 =	vmul.f32 v18, v7  }
0x140: {  	v19 =	vmul.f32 v16, v0  }
0x141: {  	s16 =	simm.s32 $0x0;
	v20 =	vmul.f32 v16, v1;
	v21 =	vmul.f32 v16, v2;
	v17 =	vadd.f32 v17, v15  }
0x142: {  	s18 =	simm.s32 $0x48F0;
	v22 =	vmov s16;
	v23 =	vmul.f32 v16, v3;
	v19 =	vadd.f32 v19, v8  }
0x143: {  	v20 =	vadd.f32 v20, v9;
	v21 =	vadd.f32 v21, v10;
	[tilespmem:s18+$0xFFFFFF80] =	vst v17;
	v17 =	vand.u32 $0xFFFFFFFC, v22  }
0x144: {  	v22 =	vadd.f32 v23, v11;
	v23 =	vmul.f32 v18, v2;
	[tilespmem:s18+$0xFFFFFE90] =	vst v19;
	v17 =	vbroadcast v17, $0x0  }
0x145: {  	v19 =	vmul.f32 v16, v4;
	[tilespmem:s18+$0xFFFFFEA0] =	vst v20  }
0x146: {  	v20 =	vmul.f32 v16, v5;
	[tilespmem:s18+$0xFFFFFEB0] =	vst v21;
	v23 =	vadd.f32 v23, v10  }
0x147: {  	v21 =	vmul.f32 v16, v6;
	[tilespmem:s18+$0xFFFFFEC0] =	vst v22;
	v19 =	vadd.f32 v19, v12  }
0x148: {  	v16 =	vmul.f32 v16, v7;
	v20 =	vadd.f32 v20, v13;
	[tilespmem:s18+$0xFFFFFF30] =	vst v23  }
0x149: {  	v22 =	vmul.f32 v18, v0;
	[tilespmem:s18+$0xFFFFFED0] =	vst v19;
	v19 =	vadd.f32 v21, v14  }
0x14a: {  	s10 =	simm.s32 $0x3;
	v21 =	vmul.f32 v18, v1;
	[tilespmem:s18+$0xFFFFFEE0] =	vst v20;
	v20 =	vadd.f32 v16, v15;
	v16 =	vld.idx.msk [tilespmem:v17+s30+$0x0], $0xffff  }
0x14b: {  	v22 =	vadd.f32 v22, v8;
	[tilespmem:s18+$0xFFFFFEF0] =	vst v19;
	v19 =	vmul.f32 v18, v3;
	v17 =	vmov s10  }
0x14c: {  	s16 =	simm.s32 $0x5;
	v62 =	vmul.f32 v18, v5;
	v21 =	vadd.f32 v21, v9;
	[tilespmem:s18+$0xFFFFFF00] =	vst v20;
	v20 =	vmul.f32 v18, v4  }
0x14d: {  	[tilespmem:s18+$0xFFFFFF10] =	vst v22;
	v18 =	vmul.f32 v18, v6;
	v22 =	vadd.f32 v19, v11;
	v19 =	vmov s16  }
0x14e: {  	[tilespmem:s18+$0xFFFFFF20] =	vst v21;
	v63 =	vadd.f32 v20, v12;
	v20 =	vadd.f32 v62, v13;
	v21 =	vand.u32 $0xFFFFFFFD, v19  }
0x14f: {  	v19 =	vadd.f32 v18, v14;
	v18 =	vbroadcast v21, $0x0;
	[tilespmem:s18+$0xFFFFFF40] =	vst v22;
	v22 =	vmul.f32 v16, v0  }
0x150: {  	s7 =	simm.s32 $0x4;
	s10 =	simm.s32 $0x6;
	s16 =	simm.s32 $0x8;
	[tilespmem:s18+$0xFFFFFF50] =	vst v63;
	v21 =	vmul.f32 v16, v1;
	v17 =	vld.idx.msk [tilespmem:v17+s30+$0x0], $0xffff  }
.LBB2_8:
0x151: {  	p2 =	slt.u32 s16, $0x7C;
	v23 =	vmov s10;
	v22 =	vadd.f32 v22, v8;
	v24 =	vmul.f32 v16, v2;
	[tilespmem:s18+$0xFFFFFF60] =	vst v20  }
0x152: {  	v20 =	vand.u32 $0xFFFFFFFE, v23;
	v21 =	vadd.f32 v21, v9;
	v23 =	vmul.f32 v16, v3;
	[tilespmem:s18+$0xFFFFFF70] =	vst v19  }
0x153: {  	v19 =	vbroadcast v20, $0x0;
	[tilespmem:s18+$0xFFFFFE10] =	vst v22;
	v20 =	vadd.f32 v24, v10;
	v22 =	vmul.f32 v16, v4  }
0x154: {  	[tilespmem:s18+$0xFFFFFE20] =	vst v21;
	v21 =	vadd.f32 v23, v11;
	v23 =	vmul.f32 v16, v5  }
0x155: {  	v24 =	vmov s7;
	v18 =	vld.idx.msk [tilespmem:v18+s30+$0x0], $0xffff;
	[tilespmem:s18+$0xFFFFFE30] =	vst v20;
	v20 =	vadd.f32 v22, v12;
	v22 =	vmul.f32 v16, v6  }
0x156: {  	v16 =	vmul.f32 v16, v7;
	[tilespmem:s18+$0xFFFFFE40] =	vst v21;
	v21 =	vadd.f32 v23, v13;
	v23 =	vmul.f32 v17, v0  }
0x157: {  	v25 =	vmul.f32 v17, v2;
	[tilespmem:s18+$0xFFFFFE50] =	vst v20;
	v20 =	vadd.f32 v22, v14;
	v22 =	vmul.f32 v17, v1  }
0x158: {  	v26 =	vmul.f32 v17, v4;
	v16 =	vadd.f32 v16, v15;
	[tilespmem:s18+$0xFFFFFE60] =	vst v21;
	v21 =	vmul.f32 v17, v3  }
0x159: {  	v24 =	vand.u32 $0xFFFFFFFC, v24;
	v19 =	vld.idx.msk [tilespmem:v19+s30+$0x0], $0xffff;
	[tilespmem:s18+$0xFFFFFE70] =	vst v20;
	v20 =	vadd.f32 v23, v8;
	v23 =	vmul.f32 v17, v5  }
0x15a: {  	[tilespmem:s18+$0xFFFFFE80] =	vst v16;
	v16 =	vadd.f32 v22, v9;
	v22 =	vadd.f32 v25, v10;
	v25 =	vmul.f32 v17, v6  }
0x15b: {  	v17 =	vmul.f32 v17, v7;
	[tilespmem:s18+$0xFFFFFF90] =	vst v20;
	v20 =	vadd.f32 v21, v11;
	v21 =	vadd.f32 v26, v12  }
0x15c: {  	v27 =	vmul.f32 v18, v1;
	v26 =	vmul.f32 v18, v0;
	[tilespmem:s18+$0xFFFFFFA0] =	vst v16;
	v16 =	vadd.f32 v23, v13  }
0x15d: {  	v23 =	vmul.f32 v18, v2;
	v17 =	vadd.f32 v17, v15;
	[tilespmem:s18+$0xFFFFFFB0] =	vst v22;
	v22 =	vadd.f32 v25, v14  }
0x15e: {  	v25 =	vadd.f32 v26, v8;
	v26 =	vadd.f32 v27, v9;
	v27 =	vmul.f32 v18, v3;
	[tilespmem:s18+$0xFFFFFFC0] =	vst v20  }
0x15f: {  	v23 =	vadd.f32 v23, v10;
	v20 =	vmul.f32 v19, v0;
	v28 =	vmul.f32 v19, v7;
	[tilespmem:s18+$0xFFFFFFD0] =	vst v21  }
0x160: {  	v29 =	vmul.f32 v19, v2;
	v21 =	vadd.f32 v27, v11;
	v27 =	vmul.f32 v19, v1;
	[tilespmem:s18+$0xFFFFFFE0] =	vst v16  }
0x161: {  	v30 =	vmul.f32 v19, v4;
	v16 =	vmul.f32 v19, v3;
	v28 =	vadd.f32 v28, v15;
	[tilespmem:s18+$0xFFFFFFF0] =	vst v22  }
0x162: {  	v22 =	vadd.f32 v20, v8;
	v20 =	vmul.f32 v19, v5;
	v19 =	vmul.f32 v19, v6;
	[tilespmem:s18+$0x0] =	vst v17;
	s18 =	sadd.s32 $0x200, s18  }
0x163: {  	v17 =	vbroadcast v24, $0x0;
	v24 =	vadd.f32 v27, v9;
	v27 =	vadd.f32 v29, v10;
	[tilespmem:s18+$0xFFFFFF80] =	vst v28  }
0x164: {  	v29 =	vadd.f32 v30, v12;
	v28 =	vadd.f32 v16, v11;
	[tilespmem:s18+$0xFFFFFE90] =	vst v25;
	v25 =	vmul.f32 v18, v4  }
0x165: {  	v16 =	vmul.f32 v18, v5;
	v20 =	vadd.f32 v20, v13;
	v19 =	vadd.f32 v19, v14;
	[tilespmem:s18+$0xFFFFFEA0] =	vst v26  }
0x166: {  	[tilespmem:s18+$0xFFFFFEB0] =	vst v23;
	v23 =	vadd.f32 v25, v12;
	v25 =	vmul.f32 v18, v6  }
0x167: {  	v18 =	vmul.f32 v18, v7;
	[tilespmem:s18+$0xFFFFFEC0] =	vst v21;
	v21 =	vadd.f32 v16, v13  }
0x168: {  	[tilespmem:s18+$0xFFFFFED0] =	vst v23;
	v23 =	vadd.f32 v25, v14  }
0x169: {  	v16 =	vld.idx.msk [tilespmem:v17+s30+$0x0], $0xffff;
	[tilespmem:s18+$0xFFFFFEE0] =	vst v21;
	v17 =	vadd.f32 v18, v15  }
0x16a: {  	s10 =	sadd.s32 $0x3, s7;
	s7 =	smov.u32 s16;
	[tilespmem:s18+$0xFFFFFEF0] =	vst v23  }
0x16b: {  	[tilespmem:s18+$0xFFFFFF00] =	vst v17;
	v17 =	vmov s10  }
.Ltmp7:
0x16c: {  	s10 =	sadd.s32 $0x1, s16;
	[tilespmem:s18+$0xFFFFFF10] =	vst v22;
	(pc) =	sbr.rel @p2 .LBB2_8-.Ltmp7, $4  }
0x16d: {  	v18 =	vmov s10;
	[tilespmem:s18+$0xFFFFFF20] =	vst v24  }
0x16e: {  	v18 =	vand.u32 $0xFFFFFFFD, v18;
	[tilespmem:s18+$0xFFFFFF30] =	vst v27  }
0x16f: {  	v18 =	vbroadcast v18, $0x0;
	v22 =	vmul.f32 v16, v0;
	[tilespmem:s18+$0xFFFFFF40] =	vst v28  }
0x170: {  	s16 =	sadd.s32 $0x4, s16;
	s10 =	sadd.s32 $0x2, s7;
	v21 =	vmul.f32 v16, v1;
	[tilespmem:s18+$0xFFFFFF50] =	vst v29;
	v17 =	vld.idx.msk [tilespmem:v17+s30+$0x0], $0xffff  }
0x171: {  	v22 =	vadd.f32 v22, v8;
	v23 =	vmul.f32 v16, v2;
	[tilespmem:s18+$0xFFFFFF60] =	vst v20  }
0x172: {  	v24 =	vmul.f32 v16, v3;
	[tilespmem:s18+$0xFFFFFF70] =	vst v19;
	v21 =	vadd.f32 v21, v9  }
0x173: {  	v58 =	vmul.f32 v16, v4;
	[tilespmem:s18+$0xFFFFFE10] =	vst v22;
	v57 =	vadd.f32 v23, v10  }
0x174: {  	v60 =	vmul.f32 v16, v5;
	v59 =	vadd.f32 v24, v11;
	[tilespmem:s18+$0xFFFFFE20] =	vst v21  }
0x175: {  	v62 =	vmul.f32 v16, v6;
	v61 =	vadd.f32 v58, v12;
	[tilespmem:s18+$0xFFFFFE30] =	vst v57  }
0x176: {  	v16 =	vmul.f32 v16, v7;
	v63 =	vadd.f32 v60, v13;
	[tilespmem:s18+$0xFFFFFE40] =	vst v59  }
0x177: {  	v25 =	vadd.f32 v62, v14;
	v24 =	vmul.f32 v17, v0;
	[tilespmem:s18+$0xFFFFFE50] =	vst v61  }
0x178: {  	v55 =	vmov s10;
	v18 =	vld.idx.msk [tilespmem:v18+s30+$0x0], $0xffff;
	v16 =	vadd.f32 v16, v15;
	v26 =	vmul.f32 v17, v1;
	[tilespmem:s18+$0xFFFFFE60] =	vst v63  }
0x179: {  	v56 =	vand.u32 $0xFFFFFFFE, v55;
	v27 =	vmul.f32 v17, v2;
	[tilespmem:s18+$0xFFFFFE70] =	vst v25;
	v28 =	vadd.f32 v24, v8  }
0x17a: {  	v19 =	vbroadcast v56, $0x0;
	v29 =	vmul.f32 v17, v3;
	[tilespmem:s18+$0xFFFFFE80] =	vst v16;
	v16 =	vadd.f32 v26, v9  }
0x17b: {  	v30 =	vmul.f32 v17, v4;
	v21 =	vadd.f32 v27, v10;
	[tilespmem:s18+$0xFFFFFF90] =	vst v28  }
0x17c: {  	v31 =	vmul.f32 v17, v5;
	v23 =	vadd.f32 v29, v11;
	[tilespmem:s18+$0xFFFFFFA0] =	vst v16  }
0x17d: {  	v35 =	vmul.f32 v18, v2;
	v22 =	vadd.f32 v30, v12;
	[tilespmem:s18+$0xFFFFFFB0] =	vst v21  }
0x17e: {  	v38 =	vmul.f32 v18, v4;
	v20 =	vadd.f32 v31, v13;
	[tilespmem:s18+$0xFFFFFFC0] =	vst v23  }
0x17f: {  	v37 =	vadd.f32 v35, v10;
	v16 =	vmul.f32 v17, v6;
	[tilespmem:s18+$0xFFFFFFD0] =	vst v22  }
0x180: {  	s16 =	sadd.s32 $0x200, s18;
	v39 =	vadd.f32 v38, v12;
	v19 =	vld.idx.msk [tilespmem:v19+s30+$0x0], $0xffff;
	v17 =	vmul.f32 v17, v7;
	[tilespmem:s18+$0xFFFFFFE0] =	vst v20  }
0x181: {  	v40 =	vmul.f32 v18, v6;
	[tilespmem:s16+$0xFFFFFEB0] =	vst v37;
	v16 =	vadd.f32 v16, v14  }
0x182: {  	v33 =	vmul.f32 v18, v0;
	[tilespmem:s16+$0xFFFFFED0] =	vst v39;
	v17 =	vadd.f32 v17, v15  }
0x183: {  	v34 =	vmul.f32 v18, v1;
	v42 =	vadd.f32 v40, v14;
	[tilespmem:s18+$0xFFFFFFF0] =	vst v16  }
0x184: {  	v36 =	vmul.f32 v18, v3;
	v22 =	vadd.f32 v33, v8;
	v16 =	vmov s7;
	[tilespmem:s18+$0x0] =	vst v17;
	s18 =	sadd.s32 $0x3, s7  }
0x185: {  	[tilespmem:s16+$0xFFFFFEF0] =	vst v42;
	v17 =	vadd.f32 v34, v9;
	v32 =	vmul.f32 v19, v7;
	v47 =	vmov s18  }
0x186: {  	v20 =	vadd.f32 v36, v11;
	[tilespmem:s16+$0xFFFFFE90] =	vst v22;
	v16 =	vand.u32 $0xFFFFFFFC, v16;
	v41 =	vmul.f32 v19, v0  }
0x187: {  	v16 =	vbroadcast v16, $0x0;
	[tilespmem:s16+$0xFFFFFEA0] =	vst v17;
	v17 =	vmul.f32 v18, v5;
	v21 =	vadd.f32 v32, v15  }
0x188: {  	[tilespmem:s16+$0xFFFFFEC0] =	vst v20;
	v43 =	vmul.f32 v19, v1;
	v20 =	vadd.f32 v41, v8  }
0x189: {  	v18 =	vmul.f32 v18, v7;
	v17 =	vadd.f32 v17, v13;
	[tilespmem:s16+$0xFFFFFF80] =	vst v21  }
0x18a: {  	v46 =	vmul.f32 v19, v5;
	v22 =	vadd.f32 v43, v9;
	[tilespmem:s16+$0xFFFFFF10] =	vst v20;
	v52 =	vld.idx.msk [tilespmem:v47+s30+$0x0], $0xffff  }
0x18b: {  	v45 =	vmul.f32 v19, v3;
	[tilespmem:s16+$0xFFFFFEE0] =	vst v17;
	v17 =	vadd.f32 v18, v15  }
0x18c: {  	v44 =	vmul.f32 v19, v2;
	v48 =	vadd.f32 v46, v13;
	[tilespmem:s16+$0xFFFFFF20] =	vst v22  }
0x18d: {  	v21 =	vadd.f32 v45, v11;
	v16 =	vld.idx.msk [tilespmem:v16+s30+$0x0], $0xffff;
	[tilespmem:s16+$0xFFFFFF00] =	vst v17;
	v17 =	vmul.f32 v19, v4  }
0x18e: {  	[tilespmem:s16+$0xFFFFFF60] =	vst v48;
	v18 =	vadd.f32 v44, v10;
	v19 =	vmul.f32 v19, v6  }
0x18f: {  	[tilespmem:s16+$0xFFFFFF40] =	vst v21;
	v17 =	vadd.f32 v17, v12;
	v61 =	vmul.f32 v52, v2  }
0x190: {  	[tilespmem:s16+$0xFFFFFF30] =	vst v18;
	v19 =	vadd.f32 v19, v14;
	v63 =	vmul.f32 v52, v4  }
0x191: {  	v18 =	vmul.f32 v52, v7;
	[tilespmem:s16+$0xFFFFFF50] =	vst v17;
	v20 =	vadd.f32 v61, v10  }
0x192: {  	[tilespmem:s16+$0xFFFFFF70] =	vst v19;
	v49 =	vmul.f32 v16, v0;
	v19 =	vadd.f32 v63, v12  }
0x193: {  	v50 =	vmul.f32 v16, v1;
	v18 =	vadd.f32 v18, v15;
	[tilespmem:s16+$0xFFFFFFB0] =	vst v20  }
0x194: {  	v51 =	vmul.f32 v16, v2;
	v17 =	vadd.f32 v49, v8;
	[tilespmem:s16+$0xFFFFFFD0] =	vst v19  }
0x195: {  	v53 =	vmul.f32 v16, v3;
	v21 =	vadd.f32 v50, v9;
	[tilespmem:s16+$0x0] =	vst v18  }
0x196: {  	v54 =	vmul.f32 v16, v4;
	v56 =	vmul.f32 v16, v5;
	[tilespmem:s16+$0xFFFFFE10] =	vst v17;
	v17 =	vadd.f32 v51, v10  }
0x197: {  	v57 =	vmul.f32 v16, v6;
	v16 =	vmul.f32 v16, v7;
	v55 =	vadd.f32 v53, v11;
	[tilespmem:s16+$0xFFFFFE20] =	vst v21  }
0x198: {  	[tilespmem:s16+$0xFFFFFE30] =	vst v17;
	v17 =	vadd.f32 v54, v12  }
0x199: {  	v60 =	vmul.f32 v52, v1;
	v16 =	vadd.f32 v16, v15;
	[tilespmem:s16+$0xFFFFFE40] =	vst v55  }
0x19a: {  	v59 =	vmul.f32 v52, v0;
	[tilespmem:s16+$0xFFFFFE50] =	vst v17;
	v17 =	vadd.f32 v57, v14  }
0x19b: {  	[tilespmem:s16+$0xFFFFFE80] =	vst v16;
	v16 =	vadd.f32 v60, v9  }
0x19c: {  	v62 =	vmul.f32 v52, v3;
	[tilespmem:s16+$0xFFFFFE70] =	vst v17;
	v17 =	vadd.f32 v59, v8  }
0x19d: {  	v58 =	vadd.f32 v56, v13;
	[tilespmem:s16+$0xFFFFFFA0] =	vst v16;
	v16 =	vmul.f32 v52, v6  }
0x19e: {  	v21 =	vadd.f32 v62, v11;
	[tilespmem:s16+$0xFFFFFF90] =	vst v17;
	v17 =	vmul.f32 v52, v5  }
0x19f: {  	[tilespmem:s16+$0xFFFFFE60] =	vst v58;
	v16 =	vadd.f32 v16, v14  }
0x1a0: {  	[tilespmem:s16+$0xFFFFFFC0] =	vst v21;
	v17 =	vadd.f32 v17, v13  }
0x1a1: {  	[tilespmem:s16+$0xFFFFFFF0] =	vst v16  }
0x1a2: {  	[tilespmem:s16+$0xFFFFFFE0] =	vst v17  }
0x1a3: {  	[tilespmem:s3], [sflag:$0x4] =	stream.indirect.gather.add.f32 [spmem:s6], $0x80, s31, s21, $0xb8;
	[tilespmem:$0x1C080] =	vst v63  }
0x1a4: {  	_ = 	snop  }
0x1a5: {  	[tilespmem:s3], [sflag:$0x4] =	stream.indirect.gather.add.f32 [spmem:s6], $0x80, s1, s21, $0xb8;
	[tilespmem:$0x1C080] =	vst v63  }
.Ltmp8:
0x1a6: {  	_ = 	snop;
	(pc) =	sbr.rel .LBB2_10-.Ltmp8, $4  }
0x1a7: {  	_ = 	snop  }
0x1a8: {  	[tilespmem:s4], [sflag:$0x4] =	stream.indirect.gather.add.f32 [spmem:s6], $0x80, s2, s21, $0xb8;
	[tilespmem:$0x1C080] =	vst v63  }
0x1a9: {  	_ = 	snop  }
0x1aa: {  	[tilespmem:s4], [sflag:$0x4] =	stream.indirect.gather.add.f32 [spmem:s6], $0x80, s15, s21, $0xb8;
	[tilespmem:$0x1C080] =	vst v63  }
.LBB2_12:
0x1ab: {  	_ =	sfence.sel $0x180000  }
0x1ac: {  	[bflag:$0x0] =	sbarrier.arrive $0xFFFF  }
0x1ad: {  	_ =	strace $0x90000047  }
0x1ae: {  	[bflag:$0x2] =	sbarrier.arrive $0xFFFF  }
0x1af: {  	s0 =	rddreg [dreg:$0x6]  }
0x1b0: {  	s0 =	sadd.s32 @!p0 $0x100000, s0  }
0x1b1: {  	[sflag:s0] =	ssyncadd.tile.s32 @!p0 $0x1;
	_ =	shalt  }
.Lfunc_end2:
_tile_overlayer_lowered:
.L_overlay_start_2:
0x1b2: {  	(tag) =	ssettag $0x2  }
0x1b3: {  	s0 =	rddreg [dreg:$0x0];
	s2 =	stileid.u32  }
0x1b4: {  	s1 =	rddreg [dreg:$0x1];
	p0 =	sne.s32 s2, $0x0  }
0x1b5: {  	s3 =	rddreg [dreg:$0x2];
	[bflag:$0x3] =	sbarrier.arrive $0xFFFF;
	s2 =	simm.s32 @!p0 $0x1C07  }
0x1b6: {  	[timem:s3], [sflag:s2] =	dma.local @!p0 [hbm:s0], s1  }
0x1b7: {  	s0 =	simm.s32 @!p0 $0x7  }
0x1b8: {  	_ =	swait.ge @!p0 [sflag:s0], s1  }
0x1b9: {  	s1 =	ssub.s32 @!p0 $0x0, s1;
	[sflag:s0] =	ssyncset.done @!p0 $0x0  }
0x1ba: {  	[sflag:s0] =	ssyncadd.s32 @!p0 s1  }
0x1bb: {  	[bflag:$0x3] =	sbarrier.arrive $0xFFFF  }
0x1bc: {  	_ =	shalt  }

</sc_bundles>
